<compile_context>
chip_gen: v7x
topology: tpu7x:2x2x1
jax: 0.10.2.dev20260603
libtpu: 0.0.44.dev20260713+nightly
codegen_flags: <defaults>
</compile_context>

<pallas_src>
import functools

import jax
import jax.numpy as jnp
from jax import lax
from jax.experimental import pallas as pl
from jax.experimental.pallas import tpu as pltpu
from jax.experimental.pallas import tpu_sc as plsc


def _format_words(wte_t):
    D, V = wte_t.shape
    blk = 8192
    grid = (V + blk - 1) // blk
    nq = blk * D // 256

    dk = D // 2

    def body(in_ref, out_ref):
        ks = lax.broadcasted_iota(jnp.int32, (D, dk), 1)
        ds_ = lax.broadcasted_iota(jnp.int32, (D, dk), 0)
        p_even = (ds_ == 2 * ks).astype(jnp.bfloat16)
        p_odd = (ds_ == 2 * ks + 1).astype(jnp.bfloat16)
        x = in_ref[...]
        dn = (((0,), (0,)), ((), ()))
        ye = lax.dot_general(x, p_even, dn, preferred_element_type=jnp.float32)
        yo = lax.dot_general(x, p_odd, dn, preferred_element_type=jnp.float32)
        be = lax.bitcast_convert_type(ye, jnp.int32)
        bo = lax.bitcast_convert_type(yo, jnp.int32)
        w = lax.bitwise_or(
            lax.shift_right_logical(be, 16),
            lax.bitwise_and(bo, jnp.int32(-65536)),
        )
        w4 = w.reshape(nq, 4, dk)
        out_ref[...] = jnp.concatenate(
            [w4[:, a, :] for a in range(4)], axis=1
        )

    return pl.pallas_call(
        body,
        grid=(grid,),
        in_specs=[pl.BlockSpec((D, blk), lambda i: (0, i))],
        out_specs=pl.BlockSpec((nq, 128), lambda i: (i, 0)),
        out_shape=jax.ShapeDtypeStruct((V * D // 256, 128), jnp.int32),
    )(wte_t)

NC = 2
NS = 16
NW = NC * NS
CH = 128
L = 16


def _gather_call(ids2d, wordtab, n_per_w, n_ch):
    mesh = plsc.VectorSubcoreMesh(core_axis_name="c", subcore_axis_name="s")
    N = NW * n_per_w

    @functools.partial(
        pl.kernel,
        mesh=mesh,
        out_type=jax.ShapeDtypeStruct((N, 64), jnp.float32),
        scratch_types=[
            pltpu.VMEM((n_ch, CH), jnp.int32),
            pltpu.VMEM((n_ch, CH), jnp.int32),
            pltpu.VMEM((n_per_w, 128), jnp.int32),
            pltpu.VMEM((n_per_w, 64), jnp.float32),
            pltpu.SemaphoreType.DMA,
        ],
        compiler_params=pltpu.CompilerParams(
            use_tc_tiling_on_sc=False, needs_layout_passes=False
        ),
    )
    def gather_kernel(ids_hbm, tab_hbm, out_hbm, idx_v, q_v, rows_v, sel_v, sem):
        wid = lax.axis_index("s") * NC + lax.axis_index("c")
        base = wid * n_per_w
        pltpu.sync_copy(ids_hbm.at[pl.ds(wid * n_ch, n_ch)], idx_v)

        def qbody(i, _):
            j, k = i // (CH // L), (i % (CH // L)) * L
            vec = idx_v[j, pl.ds(k, L)]
            q_v[j, pl.ds(k, L)] = lax.shift_right_logical(vec, 2)
            return 0

        lax.fori_loop(0, n_ch * (CH // L), qbody, 0, unroll=True)

        copies = []
        for j in range(n_ch):
            copies.append(
                pltpu.async_copy(
                    tab_hbm.at[q_v.at[j]],
                    rows_v.at[pl.ds(j * CH, CH)],
                    sem,
                )
            )
        for c in copies:
            c.wait()

        lanes = lax.broadcasted_iota(jnp.int32, (L,), 0)

        def sbody(g, _):
            j, k0 = g // (CH // L), (g % (CH // L)) * L
            idxv = idx_v[j, pl.ds(k0, L)]
            rowv = j * CH + k0 + lanes
            col0 = lax.shift_left(lax.bitwise_and(idxv, 3), 5)

            def wbody(k, _):
                w = plsc.load_gather(rows_v, [rowv, col0 + k])
                lo = plsc.bitcast(lax.shift_left(w, 16), jnp.float32)
                hi = plsc.bitcast(
                    lax.bitwise_and(w, jnp.int32(-65536)), jnp.float32
                )
                zeros = lax.full((L,), 0, jnp.int32)
                plsc.store_scatter(sel_v, [rowv, zeros + 2 * k], lo)
                plsc.store_scatter(sel_v, [rowv, zeros + 2 * k + 1], hi)
                return 0

            lax.fori_loop(0, 32, wbody, 0, unroll=8)
            return 0

        lax.fori_loop(0, n_per_w // L, sbody, 0)
        pltpu.sync_copy(sel_v, out_hbm.at[pl.ds(base, n_per_w)])

    return gather_kernel(ids2d, wordtab)


def kernel(input_ids, wte):
    B, S = input_ids.shape
    V, D = wte.shape
    N = B * S
    n_per_w = N // NW
    n_ch = n_per_w // CH
    ids2d = input_ids.reshape(NW * n_ch, CH)
    wordtab = _format_words(wte.T)
    out = _gather_call(ids2d, wordtab, n_per_w, n_ch)
    return out.reshape(B, S, D)

# --- scband reference (transcript-rebuilt; emitter-appended) ---
"""Pipeline reference for scband-embedding-36318243455230 (READ-ONLY COPY).

The authoritative reference and input builder live on the scoring server;
editing this copy changes nothing except your own understanding.
"""

import jax, jax.numpy as jnp
import numpy as np

VOCAB = 1000000
EMBED_DIM = 64
BATCH = 4
SEQ_LEN = 4096


def setup_inputs(seed: int = 0) -> dict:
    key = jax.random.key(seed)
    k1, k2 = jax.random.split(key)
    input_ids = jax.random.randint(k1, (BATCH, SEQ_LEN), 0, VOCAB, dtype=jnp.int64 if jax.config.jax_enable_x64 else jnp.int32).astype(jnp.int32)
    # wte weight is bfloat16 in the original model (torch_dtype=torch.bfloat16)
    wte = (jax.random.normal(k2, (VOCAB, EMBED_DIM), dtype=jnp.float32) * 0.02).astype(jnp.bfloat16)
    return {"input_ids": input_ids, "wte": wte}


def reference(input_ids, wte):
    # out = transformer.wte(input_ids); return out.float()
    out = jnp.take(wte, input_ids, axis=0)
    return out.astype(jnp.float32)

if __name__ == "__main__":
    import jax
    _d = setup_inputs()
    print(jax.jit(kernel)(*tuple(_d.values())))

</pallas_src>

<mosaic_0001>
#map = affine_map<(d0, d1) -> (0, 0)>
module attributes {stable_mosaic.version = 14 : i64} {
  func.func @gather_kernel(%arg0: i32, %arg1: i32, %arg2: memref<128x128xi32, #tpu.memory_space<hbm>>, %arg3: memref<250000x128xi32, #tpu.memory_space<hbm>>, %arg4: memref<16384x64xf32, #tpu.memory_space<hbm>>, %arg5: memref<4x128xi32, #tpu.memory_space<vmem>>, %arg6: memref<4x128xi32, #tpu.memory_space<vmem>>, %arg7: memref<512x128xi32, #tpu.memory_space<vmem>>, %arg8: memref<512x64xf32, #tpu.memory_space<vmem>>, %arg9: memref<!tpu.dma_semaphore, #tpu.memory_space<semaphore_mem>>) attributes {dimension_semantics = [#tpu.dimension_semantics<core_parallel>, #tpu.dimension_semantics<subcore_parallel>], iteration_bounds = array<i64: 2, 16>, scalar_prefetch = 0 : i64, scratch_operands = 5 : i64, tpu.core_type = #tpu.core_type<sc_vector_subcore>, window_params = [{transform_indices = #map}, {transform_indices = #map}, {transform_indices = #map}]} {
    %mul3A = arith.constant 2 : i32
    %mul3A_0 = arith.muli %arg1, %mul3A : i32
    %add3A = arith.addi %mul3A_0, %arg0 : i32
    %mul3A_1 = arith.constant 512 : i32
    %mul3A_2 = arith.muli %add3A, %mul3A_1 : i32
    %mul3A_3 = arith.constant 4 : i32
    %mul3A_4 = arith.muli %add3A, %mul3A_3 : i32
    "tpu.region"() ({
      %run_scoped3A = tpu.sem_alloc : memref<!tpu.dma_semaphore, #tpu.memory_space<semaphore_mem>>
      %dma_start3A_1774 = arith.constant 0 : i32
      %dma_start3A_1775 = tpu.memref_slice %arg2[%mul3A_4, %dma_start3A_1774] : memref<128x128xi32, #tpu.memory_space<hbm>> -> memref<4x128xi32, #tpu.memory_space<hbm>>
      %dma_start3A_1776 = arith.constant 0 : i32
      %dma_start3A_1777 = tpu.memref_slice %arg2[%mul3A_4, %dma_start3A_1776] : memref<128x128xi32, #tpu.memory_space<hbm>> -> memref<4x128xi32, #tpu.memory_space<hbm>>
      tpu.enqueue_dma source(%dma_start3A_1777 : memref<4x128xi32, #tpu.memory_space<hbm>>) target(%arg5 : memref<4x128xi32, #tpu.memory_space<vmem>>) target_semaphore(%run_scoped3A : memref<!tpu.dma_semaphore, #tpu.memory_space<semaphore_mem>>)
      %dma_wait3A_1778 = arith.constant 0 : i32
      %dma_wait3A_1779 = tpu.memref_slice %arg2[%mul3A_4, %dma_wait3A_1778] : memref<128x128xi32, #tpu.memory_space<hbm>> -> memref<4x128xi32, #tpu.memory_space<hbm>>
      %dma_wait3A_1780 = arith.constant 0 : i32
      %dma_wait3A_1781 = tpu.memref_slice %arg2[%mul3A_4, %dma_wait3A_1780] : memref<128x128xi32, #tpu.memory_space<hbm>> -> memref<4x128xi32, #tpu.memory_space<hbm>>
      tpu.wait_dma2 semaphore(%run_scoped3A : memref<!tpu.dma_semaphore, #tpu.memory_space<semaphore_mem>>) src(%dma_wait3A_1781 : memref<4x128xi32, #tpu.memory_space<hbm>>) dst(%arg5 : memref<4x128xi32, #tpu.memory_space<vmem>>)
      tpu.yield
    }) : () -> ()
    %scan3A = arith.constant 0 : i32
    %scan3A_5 = arith.constant 0 : i32
    %jit3A = arith.constant 8 : i32
    %div3A = arith.divsi %scan3A_5, %jit3A : i32
    %sign3A = arith.constant 0 : i32
    %sign3A_6 = arith.cmpi sgt, %scan3A_5, %sign3A : i32
    %sign3A_7 = arith.extui %sign3A_6 : i1 to i32
    %sign3A_8 = arith.constant 0 : i32
    %sign3A_9 = arith.cmpi slt, %scan3A_5, %sign3A_8 : i32
    %sign3A_10 = arith.extui %sign3A_9 : i1 to i32
    %sign3A_11 = arith.subi %sign3A_7, %sign3A_10 : i32
    %sign3A_12 = arith.constant 0 : i32
    %sign3A_13 = arith.cmpi sgt, %jit3A, %sign3A_12 : i32
    %sign3A_14 = arith.extui %sign3A_13 : i1 to i32
    %sign3A_15 = arith.constant 0 : i32
    %sign3A_16 = arith.cmpi slt, %jit3A, %sign3A_15 : i32
    %sign3A_17 = arith.extui %sign3A_16 : i1 to i32
    %sign3A_18 = arith.subi %sign3A_14, %sign3A_17 : i32
    %ne3A = arith.cmpi ne, %sign3A_11, %sign3A_18 : i32
    %rem3A = arith.remsi %scan3A_5, %jit3A : i32
    %ne3A_19 = arith.constant 0 : i32
    %ne3A_20 = arith.cmpi ne, %rem3A, %ne3A_19 : i32
    %and3A = arith.andi %ne3A, %ne3A_20 : i1
    %sub3A = arith.constant 1 : i32
    %sub3A_21 = arith.subi %div3A, %sub3A : i32
    %select_n3A = arith.select %and3A, %sub3A_21, %div3A : i32
    %jit3A_22 = arith.constant 8 : i32
    %eq3A = arith.constant 0 : i32
    %eq3A_23 = arith.cmpi eq, %jit3A_22, %eq3A : i32
    %jit3A_24 = arith.constant 1 : i32
    %select_n3A_25 = arith.select %eq3A_23, %jit3A_24, %jit3A_22 : i32
    %rem3A_26 = arith.remsi %scan3A_5, %select_n3A_25 : i32
    %ne3A_27 = arith.constant 0 : i32
    %ne3A_28 = arith.cmpi ne, %rem3A_26, %ne3A_27 : i32
    %lt3A = arith.constant 0 : i32
    %lt3A_29 = arith.cmpi slt, %rem3A_26, %lt3A : i32
    %lt3A_30 = arith.constant 0 : i32
    %lt3A_31 = arith.cmpi slt, %select_n3A_25, %lt3A_30 : i32
    %ne3A_32 = arith.xori %lt3A_29, %lt3A_31 : i1
    %and3A_33 = arith.andi %ne3A_32, %ne3A_28 : i1
    %add3A_34 = arith.addi %rem3A_26, %select_n3A_25 : i32
    %select_n3A_35 = arith.select %and3A_33, %add3A_34, %rem3A_26 : i32
    %mul3A_36 = arith.constant 16 : i32
    %mul3A_37 = arith.muli %select_n3A_35, %mul3A_36 : i32
    %get3A = arith.index_cast %select_n3A : i32 to index
    %get3A_38 = arith.index_cast %mul3A_37 : i32 to index
    %get3A_39 = tpu.vector_load %arg5[%get3A, %get3A_38] {strides = array<i32>} : memref<4x128xi32, #tpu.memory_space<vmem>>, vector<16xi32>,
    %shift_right_logical3A = arith.constant 2 : i32
    %shift_right_logical3A_40 = vector.broadcast %shift_right_logical3A : i32 to vector<16xi32>
    %shift_right_logical3A_41 = arith.shrui %get3A_39, %shift_right_logical3A_40 : vector<16xi32>
    %swap3A = arith.index_cast %select_n3A : i32 to index
    %swap3A_42 = arith.index_cast %mul3A_37 : i32 to index
    %swap3A_43 = tpu.vector_load %arg6[%swap3A, %swap3A_42] {strides = array<i32>} : memref<4x128xi32, #tpu.memory_space<vmem>>, vector<16xi32>,
    tpu.vector_store %arg6[%swap3A, %swap3A_42], %shift_right_logical3A_41 {strides = array<i32>} : memref<4x128xi32, #tpu.memory_space<vmem>>, vector<16xi32>,
    %scan3A_44 = arith.constant 0 : i32
    %scan3A_45 = arith.constant 1 : i32
    %jit3A_46 = arith.constant 8 : i32
    %div3A_47 = arith.divsi %scan3A_45, %jit3A_46 : i32
    %sign3A_48 = arith.constant 0 : i32
    %sign3A_49 = arith.cmpi sgt, %scan3A_45, %sign3A_48 : i32
    %sign3A_50 = arith.extui %sign3A_49 : i1 to i32
    %sign3A_51 = arith.constant 0 : i32
    %sign3A_52 = arith.cmpi slt, %scan3A_45, %sign3A_51 : i32
    %sign3A_53 = arith.extui %sign3A_52 : i1 to i32
    %sign3A_54 = arith.subi %sign3A_50, %sign3A_53 : i32
    %sign3A_55 = arith.constant 0 : i32
    %sign3A_56 = arith.cmpi sgt, %jit3A_46, %sign3A_55 : i32
    %sign3A_57 = arith.extui %sign3A_56 : i1 to i32
    %sign3A_58 = arith.constant 0 : i32
    %sign3A_59 = arith.cmpi slt, %jit3A_46, %sign3A_58 : i32
    %sign3A_60 = arith.extui %sign3A_59 : i1 to i32
    %sign3A_61 = arith.subi %sign3A_57, %sign3A_60 : i32
    %ne3A_62 = arith.cmpi ne, %sign3A_54, %sign3A_61 : i32
    %rem3A_63 = arith.remsi %scan3A_45, %jit3A_46 : i32
    %ne3A_64 = arith.constant 0 : i32
    %ne3A_65 = arith.cmpi ne, %rem3A_63, %ne3A_64 : i32
    %and3A_66 = arith.andi %ne3A_62, %ne3A_65 : i1
    %sub3A_67 = arith.constant 1 : i32
    %sub3A_68 = arith.subi %div3A_47, %sub3A_67 : i32
    %select_n3A_69 = arith.select %and3A_66, %sub3A_68, %div3A_47 : i32
    %jit3A_70 = arith.constant 8 : i32
    %eq3A_71 = arith.constant 0 : i32
    %eq3A_72 = arith.cmpi eq, %jit3A_70, %eq3A_71 : i32
    %jit3A_73 = arith.constant 1 : i32
    %select_n3A_74 = arith.select %eq3A_72, %jit3A_73, %jit3A_70 : i32
    %rem3A_75 = arith.remsi %scan3A_45, %select_n3A_74 : i32
    %ne3A_76 = arith.constant 0 : i32
    %ne3A_77 = arith.cmpi ne, %rem3A_75, %ne3A_76 : i32
    %lt3A_78 = arith.constant 0 : i32
    %lt3A_79 = arith.cmpi slt, %rem3A_75, %lt3A_78 : i32
    %lt3A_80 = arith.constant 0 : i32
    %lt3A_81 = arith.cmpi slt, %select_n3A_74, %lt3A_80 : i32
    %ne3A_82 = arith.xori %lt3A_79, %lt3A_81 : i1
    %and3A_83 = arith.andi %ne3A_82, %ne3A_77 : i1
    %add3A_84 = arith.addi %rem3A_75, %select_n3A_74 : i32
    %select_n3A_85 = arith.select %and3A_83, %add3A_84, %rem3A_75 : i32
    %mul3A_86 = arith.constant 16 : i32
    %mul3A_87 = arith.muli %select_n3A_85, %mul3A_86 : i32
    %get3A_88 = arith.index_cast %select_n3A_69 : i32 to index
    %get3A_89 = arith.index_cast %mul3A_87 : i32 to index
    %get3A_90 = tpu.vector_load %arg5[%get3A_88, %get3A_89] {strides = array<i32>} : memref<4x128xi32, #tpu.memory_space<vmem>>, vector<16xi32>,
    %shift_right_logical3A_91 = arith.constant 2 : i32
    %shift_right_logical3A_92 = vector.broadcast %shift_right_logical3A_91 : i32 to vector<16xi32>
    %shift_right_logical3A_93 = arith.shrui %get3A_90, %shift_right_logical3A_92 : vector<16xi32>
    %swap3A_94 = arith.index_cast %select_n3A_69 : i32 to index
    %swap3A_95 = arith.index_cast %mul3A_87 : i32 to index
    %swap3A_96 = tpu.vector_load %arg6[%swap3A_94, %swap3A_95] {strides = array<i32>} : memref<4x128xi32, #tpu.memory_space<vmem>>, vector<16xi32>,
    tpu.vector_store %arg6[%swap3A_94, %swap3A_95], %shift_right_logical3A_93 {strides = array<i32>} : memref<4x128xi32, #tpu.memory_space<vmem>>, vector<16xi32>,
    %scan3A_97 = arith.constant 0 : i32
    %scan3A_98 = arith.constant 2 : i32
    %jit3A_99 = arith.constant 8 : i32
    %div3A_100 = arith.divsi %scan3A_98, %jit3A_99 : i32
    %sign3A_101 = arith.constant 0 : i32
    %sign3A_102 = arith.cmpi sgt, %scan3A_98, %sign3A_101 : i32
    %sign3A_103 = arith.extui %sign3A_102 : i1 to i32
    %sign3A_104 = arith.constant 0 : i32
    %sign3A_105 = arith.cmpi slt, %scan3A_98, %sign3A_104 : i32
    %sign3A_106 = arith.extui %sign3A_105 : i1 to i32
    %sign3A_107 = arith.subi %sign3A_103, %sign3A_106 : i32
    %sign3A_108 = arith.constant 0 : i32
    %sign3A_109 = arith.cmpi sgt, %jit3A_99, %sign3A_108 : i32
    %sign3A_110 = arith.extui %sign3A_109 : i1 to i32
    %sign3A_111 = arith.constant 0 : i32
    %sign3A_112 = arith.cmpi slt, %jit3A_99, %sign3A_111 : i32
    %sign3A_113 = arith.extui %sign3A_112 : i1 to i32
    %sign3A_114 = arith.subi %sign3A_110, %sign3A_113 : i32
    %ne3A_115 = arith.cmpi ne, %sign3A_107, %sign3A_114 : i32
    %rem3A_116 = arith.remsi %scan3A_98, %jit3A_99 : i32
    %ne3A_117 = arith.constant 0 : i32
    %ne3A_118 = arith.cmpi ne, %rem3A_116, %ne3A_117 : i32
    %and3A_119 = arith.andi %ne3A_115, %ne3A_118 : i1
    %sub3A_120 = arith.constant 1 : i32
    %sub3A_121 = arith.subi %div3A_100, %sub3A_120 : i32
    %select_n3A_122 = arith.select %and3A_119, %sub3A_121, %div3A_100 : i32
    %jit3A_123 = arith.constant 8 : i32
    %eq3A_124 = arith.constant 0 : i32
    %eq3A_125 = arith.cmpi eq, %jit3A_123, %eq3A_124 : i32
    %jit3A_126 = arith.constant 1 : i32
    %select_n3A_127 = arith.select %eq3A_125, %jit3A_126, %jit3A_123 : i32
    %rem3A_128 = arith.remsi %scan3A_98, %select_n3A_127 : i32
    %ne3A_129 = arith.constant 0 : i32
    %ne3A_130 = arith.cmpi ne, %rem3A_128, %ne3A_129 : i32
    %lt3A_131 = arith.constant 0 : i32
    %lt3A_132 = arith.cmpi slt, %rem3A_128, %lt3A_131 : i32
    %lt3A_133 = arith.constant 0 : i32
    %lt3A_134 = arith.cmpi slt, %select_n3A_127, %lt3A_133 : i32
    %ne3A_135 = arith.xori %lt3A_132, %lt3A_134 : i1
    %and3A_136 = arith.andi %ne3A_135, %ne3A_130 : i1
    %add3A_137 = arith.addi %rem3A_128, %select_n3A_127 : i32
    %select_n3A_138 = arith.select %and3A_136, %add3A_137, %rem3A_128 : i32
    %mul3A_139 = arith.constant 16 : i32
    %mul3A_140 = arith.muli %select_n3A_138, %mul3A_139 : i32
    %get3A_141 = arith.index_cast %select_n3A_122 : i32 to index
    %get3A_142 = arith.index_cast %mul3A_140 : i32 to index
    %get3A_143 = tpu.vector_load %arg5[%get3A_141, %get3A_142] {strides = array<i32>} : memref<4x128xi32, #tpu.memory_space<vmem>>, vector<16xi32>,
    %shift_right_logical3A_144 = arith.constant 2 : i32
    %shift_right_logical3A_145 = vector.broadcast %shift_right_logical3A_144 : i32 to vector<16xi32>
    %shift_right_logical3A_146 = arith.shrui %get3A_143, %shift_right_logical3A_145 : vector<16xi32>
    %swap3A_147 = arith.index_cast %select_n3A_122 : i32 to index
    %swap3A_148 = arith.index_cast %mul3A_140 : i32 to index
    %swap3A_149 = tpu.vector_load %arg6[%swap3A_147, %swap3A_148] {strides = array<i32>} : memref<4x128xi32, #tpu.memory_space<vmem>>, vector<16xi32>,
    tpu.vector_store %arg6[%swap3A_147, %swap3A_148], %shift_right_logical3A_146 {strides = array<i32>} : memref<4x128xi32, #tpu.memory_space<vmem>>, vector<16xi32>,
    %scan3A_150 = arith.constant 0 : i32
    %scan3A_151 = arith.constant 3 : i32
    %jit3A_152 = arith.constant 8 : i32
    %div3A_153 = arith.divsi %scan3A_151, %jit3A_152 : i32
    %sign3A_154 = arith.constant 0 : i32
    %sign3A_155 = arith.cmpi sgt, %scan3A_151, %sign3A_154 : i32
    %sign3A_156 = arith.extui %sign3A_155 : i1 to i32
    %sign3A_157 = arith.constant 0 : i32
    %sign3A_158 = arith.cmpi slt, %scan3A_151, %sign3A_157 : i32
    %sign3A_159 = arith.extui %sign3A_158 : i1 to i32
    %sign3A_160 = arith.subi %sign3A_156, %sign3A_159 : i32
    %sign3A_161 = arith.constant 0 : i32
    %sign3A_162 = arith.cmpi sgt, %jit3A_152, %sign3A_161 : i32
    %sign3A_163 = arith.extui %sign3A_162 : i1 to i32
    %sign3A_164 = arith.constant 0 : i32
    %sign3A_165 = arith.cmpi slt, %jit3A_152, %sign3A_164 : i32
    %sign3A_166 = arith.extui %sign3A_165 : i1 to i32
    %sign3A_167 = arith.subi %sign3A_163, %sign3A_166 : i32
    %ne3A_168 = arith.cmpi ne, %sign3A_160, %sign3A_167 : i32
    %rem3A_169 = arith.remsi %scan3A_151, %jit3A_152 : i32
    %ne3A_170 = arith.constant 0 : i32
    %ne3A_171 = arith.cmpi ne, %rem3A_169, %ne3A_170 : i32
    %and3A_172 = arith.andi %ne3A_168, %ne3A_171 : i1
    %sub3A_173 = arith.constant 1 : i32
    %sub3A_174 = arith.subi %div3A_153, %sub3A_173 : i32
    %select_n3A_175 = arith.select %and3A_172, %sub3A_174, %div3A_153 : i32
    %jit3A_176 = arith.constant 8 : i32
    %eq3A_177 = arith.constant 0 : i32
    %eq3A_178 = arith.cmpi eq, %jit3A_176, %eq3A_177 : i32
    %jit3A_179 = arith.constant 1 : i32
    %select_n3A_180 = arith.select %eq3A_178, %jit3A_179, %jit3A_176 : i32
    %rem3A_181 = arith.remsi %scan3A_151, %select_n3A_180 : i32
    %ne3A_182 = arith.constant 0 : i32
    %ne3A_183 = arith.cmpi ne, %rem3A_181, %ne3A_182 : i32
    %lt3A_184 = arith.constant 0 : i32
    %lt3A_185 = arith.cmpi slt, %rem3A_181, %lt3A_184 : i32
    %lt3A_186 = arith.constant 0 : i32
    %lt3A_187 = arith.cmpi slt, %select_n3A_180, %lt3A_186 : i32
    %ne3A_188 = arith.xori %lt3A_185, %lt3A_187 : i1
    %and3A_189 = arith.andi %ne3A_188, %ne3A_183 : i1
    %add3A_190 = arith.addi %rem3A_181, %select_n3A_180 : i32
    %select_n3A_191 = arith.select %and3A_189, %add3A_190, %rem3A_181 : i32
    %mul3A_192 = arith.constant 16 : i32
    %mul3A_193 = arith.muli %select_n3A_191, %mul3A_192 : i32
    %get3A_194 = arith.index_cast %select_n3A_175 : i32 to index
    %get3A_195 = arith.index_cast %mul3A_193 : i32 to index
    %get3A_196 = tpu.vector_load %arg5[%get3A_194, %get3A_195] {strides = array<i32>} : memref<4x128xi32, #tpu.memory_space<vmem>>, vector<16xi32>,
    %shift_right_logical3A_197 = arith.constant 2 : i32
    %shift_right_logical3A_198 = vector.broadcast %shift_right_logical3A_197 : i32 to vector<16xi32>
    %shift_right_logical3A_199 = arith.shrui %get3A_196, %shift_right_logical3A_198 : vector<16xi32>
    %swap3A_200 = arith.index_cast %select_n3A_175 : i32 to index
    %swap3A_201 = arith.index_cast %mul3A_193 : i32 to index
    %swap3A_202 = tpu.vector_load %arg6[%swap3A_200, %swap3A_201] {strides = array<i32>} : memref<4x128xi32, #tpu.memory_space<vmem>>, vector<16xi32>,
    tpu.vector_store %arg6[%swap3A_200, %swap3A_201], %shift_right_logical3A_199 {strides = array<i32>} : memref<4x128xi32, #tpu.memory_space<vmem>>, vector<16xi32>,
    %scan3A_203 = arith.constant 0 : i32
    %scan3A_204 = arith.constant 4 : i32
    %jit3A_205 = arith.constant 8 : i32
    %div3A_206 = arith.divsi %scan3A_204, %jit3A_205 : i32
    %sign3A_207 = arith.constant 0 : i32
    %sign3A_208 = arith.cmpi sgt, %scan3A_204, %sign3A_207 : i32
    %sign3A_209 = arith.extui %sign3A_208 : i1 to i32
    %sign3A_210 = arith.constant 0 : i32
    %sign3A_211 = arith.cmpi slt, %scan3A_204, %sign3A_210 : i32
    %sign3A_212 = arith.extui %sign3A_211 : i1 to i32
    %sign3A_213 = arith.subi %sign3A_209, %sign3A_212 : i32
    %sign3A_214 = arith.constant 0 : i32
    %sign3A_215 = arith.cmpi sgt, %jit3A_205, %sign3A_214 : i32
    %sign3A_216 = arith.extui %sign3A_215 : i1 to i32
    %sign3A_217 = arith.constant 0 : i32
    %sign3A_218 = arith.cmpi slt, %jit3A_205, %sign3A_217 : i32
    %sign3A_219 = arith.extui %sign3A_218 : i1 to i32
    %sign3A_220 = arith.subi %sign3A_216, %sign3A_219 : i32
    %ne3A_221 = arith.cmpi ne, %sign3A_213, %sign3A_220 : i32
    %rem3A_222 = arith.remsi %scan3A_204, %jit3A_205 : i32
    %ne3A_223 = arith.constant 0 : i32
    %ne3A_224 = arith.cmpi ne, %rem3A_222, %ne3A_223 : i32
    %and3A_225 = arith.andi %ne3A_221, %ne3A_224 : i1
    %sub3A_226 = arith.constant 1 : i32
    %sub3A_227 = arith.subi %div3A_206, %sub3A_226 : i32
    %select_n3A_228 = arith.select %and3A_225, %sub3A_227, %div3A_206 : i32
    %jit3A_229 = arith.constant 8 : i32
    %eq3A_230 = arith.constant 0 : i32
    %eq3A_231 = arith.cmpi eq, %jit3A_229, %eq3A_230 : i32
    %jit3A_232 = arith.constant 1 : i32
    %select_n3A_233 = arith.select %eq3A_231, %jit3A_232, %jit3A_229 : i32
    %rem3A_234 = arith.remsi %scan3A_204, %select_n3A_233 : i32
    %ne3A_235 = arith.constant 0 : i32
    %ne3A_236 = arith.cmpi ne, %rem3A_234, %ne3A_235 : i32
    %lt3A_237 = arith.constant 0 : i32
    %lt3A_238 = arith.cmpi slt, %rem3A_234, %lt3A_237 : i32
    %lt3A_239 = arith.constant 0 : i32
    %lt3A_240 = arith.cmpi slt, %select_n3A_233, %lt3A_239 : i32
    %ne3A_241 = arith.xori %lt3A_238, %lt3A_240 : i1
    %and3A_242 = arith.andi %ne3A_241, %ne3A_236 : i1
    %add3A_243 = arith.addi %rem3A_234, %select_n3A_233 : i32
    %select_n3A_244 = arith.select %and3A_242, %add3A_243, %rem3A_234 : i32
    %mul3A_245 = arith.constant 16 : i32
    %mul3A_246 = arith.muli %select_n3A_244, %mul3A_245 : i32
    %get3A_247 = arith.index_cast %select_n3A_228 : i32 to index
    %get3A_248 = arith.index_cast %mul3A_246 : i32 to index
    %get3A_249 = tpu.vector_load %arg5[%get3A_247, %get3A_248] {strides = array<i32>} : memref<4x128xi32, #tpu.memory_space<vmem>>, vector<16xi32>,
    %shift_right_logical3A_250 = arith.constant 2 : i32
    %shift_right_logical3A_251 = vector.broadcast %shift_right_logical3A_250 : i32 to vector<16xi32>
    %shift_right_logical3A_252 = arith.shrui %get3A_249, %shift_right_logical3A_251 : vector<16xi32>
    %swap3A_253 = arith.index_cast %select_n3A_228 : i32 to index
    %swap3A_254 = arith.index_cast %mul3A_246 : i32 to index
    %swap3A_255 = tpu.vector_load %arg6[%swap3A_253, %swap3A_254] {strides = array<i32>} : memref<4x128xi32, #tpu.memory_space<vmem>>, vector<16xi32>,
    tpu.vector_store %arg6[%swap3A_253, %swap3A_254], %shift_right_logical3A_252 {strides = array<i32>} : memref<4x128xi32, #tpu.memory_space<vmem>>, vector<16xi32>,
    %scan3A_256 = arith.constant 0 : i32
    %scan3A_257 = arith.constant 5 : i32
    %jit3A_258 = arith.constant 8 : i32
    %div3A_259 = arith.divsi %scan3A_257, %jit3A_258 : i32
    %sign3A_260 = arith.constant 0 : i32
    %sign3A_261 = arith.cmpi sgt, %scan3A_257, %sign3A_260 : i32
    %sign3A_262 = arith.extui %sign3A_261 : i1 to i32
    %sign3A_263 = arith.constant 0 : i32
    %sign3A_264 = arith.cmpi slt, %scan3A_257, %sign3A_263 : i32
    %sign3A_265 = arith.extui %sign3A_264 : i1 to i32
    %sign3A_266 = arith.subi %sign3A_262, %sign3A_265 : i32
    %sign3A_267 = arith.constant 0 : i32
    %sign3A_268 = arith.cmpi sgt, %jit3A_258, %sign3A_267 : i32
    %sign3A_269 = arith.extui %sign3A_268 : i1 to i32
    %sign3A_270 = arith.constant 0 : i32
    %sign3A_271 = arith.cmpi slt, %jit3A_258, %sign3A_270 : i32
    %sign3A_272 = arith.extui %sign3A_271 : i1 to i32
    %sign3A_273 = arith.subi %sign3A_269, %sign3A_272 : i32
    %ne3A_274 = arith.cmpi ne, %sign3A_266, %sign3A_273 : i32
    %rem3A_275 = arith.remsi %scan3A_257, %jit3A_258 : i32
    %ne3A_276 = arith.constant 0 : i32
    %ne3A_277 = arith.cmpi ne, %rem3A_275, %ne3A_276 : i32
    %and3A_278 = arith.andi %ne3A_274, %ne3A_277 : i1
    %sub3A_279 = arith.constant 1 : i32
    %sub3A_280 = arith.subi %div3A_259, %sub3A_279 : i32
    %select_n3A_281 = arith.select %and3A_278, %sub3A_280, %div3A_259 : i32
    %jit3A_282 = arith.constant 8 : i32
    %eq3A_283 = arith.constant 0 : i32
    %eq3A_284 = arith.cmpi eq, %jit3A_282, %eq3A_283 : i32
    %jit3A_285 = arith.constant 1 : i32
    %select_n3A_286 = arith.select %eq3A_284, %jit3A_285, %jit3A_282 : i32
    %rem3A_287 = arith.remsi %scan3A_257, %select_n3A_286 : i32
    %ne3A_288 = arith.constant 0 : i32
    %ne3A_289 = arith.cmpi ne, %rem3A_287, %ne3A_288 : i32
    %lt3A_290 = arith.constant 0 : i32
    %lt3A_291 = arith.cmpi slt, %rem3A_287, %lt3A_290 : i32
    %lt3A_292 = arith.constant 0 : i32
    %lt3A_293 = arith.cmpi slt, %select_n3A_286, %lt3A_292 : i32
    %ne3A_294 = arith.xori %lt3A_291, %lt3A_293 : i1
    %and3A_295 = arith.andi %ne3A_294, %ne3A_289 : i1
    %add3A_296 = arith.addi %rem3A_287, %select_n3A_286 : i32
    %select_n3A_297 = arith.select %and3A_295, %add3A_296, %rem3A_287 : i32
    %mul3A_298 = arith.constant 16 : i32
    %mul3A_299 = arith.muli %select_n3A_297, %mul3A_298 : i32
    %get3A_300 = arith.index_cast %select_n3A_281 : i32 to index
    %get3A_301 = arith.index_cast %mul3A_299 : i32 to index
    %get3A_302 = tpu.vector_load %arg5[%get3A_300, %get3A_301] {strides = array<i32>} : memref<4x128xi32, #tpu.memory_space<vmem>>, vector<16xi32>,
    %shift_right_logical3A_303 = arith.constant 2 : i32
    %shift_right_logical3A_304 = vector.broadcast %shift_right_logical3A_303 : i32 to vector<16xi32>
    %shift_right_logical3A_305 = arith.shrui %get3A_302, %shift_right_logical3A_304 : vector<16xi32>
    %swap3A_306 = arith.index_cast %select_n3A_281 : i32 to index
    %swap3A_307 = arith.index_cast %mul3A_299 : i32 to index
    %swap3A_308 = tpu.vector_load %arg6[%swap3A_306, %swap3A_307] {strides = array<i32>} : memref<4x128xi32, #tpu.memory_space<vmem>>, vector<16xi32>,
    tpu.vector_store %arg6[%swap3A_306, %swap3A_307], %shift_right_logical3A_305 {strides = array<i32>} : memref<4x128xi32, #tpu.memory_space<vmem>>, vector<16xi32>,
    %scan3A_309 = arith.constant 0 : i32
    %scan3A_310 = arith.constant 6 : i32
    %jit3A_311 = arith.constant 8 : i32
    %div3A_312 = arith.divsi %scan3A_310, %jit3A_311 : i32
    %sign3A_313 = arith.constant 0 : i32
    %sign3A_314 = arith.cmpi sgt, %scan3A_310, %sign3A_313 : i32
    %sign3A_315 = arith.extui %sign3A_314 : i1 to i32
    %sign3A_316 = arith.constant 0 : i32
    %sign3A_317 = arith.cmpi slt, %scan3A_310, %sign3A_316 : i32
    %sign3A_318 = arith.extui %sign3A_317 : i1 to i32
    %sign3A_319 = arith.subi %sign3A_315, %sign3A_318 : i32
    %sign3A_320 = arith.constant 0 : i32
    %sign3A_321 = arith.cmpi sgt, %jit3A_311, %sign3A_320 : i32
    %sign3A_322 = arith.extui %sign3A_321 : i1 to i32
    %sign3A_323 = arith.constant 0 : i32
    %sign3A_324 = arith.cmpi slt, %jit3A_311, %sign3A_323 : i32
    %sign3A_325 = arith.extui %sign3A_324 : i1 to i32
    %sign3A_326 = arith.subi %sign3A_322, %sign3A_325 : i32
    %ne3A_327 = arith.cmpi ne, %sign3A_319, %sign3A_326 : i32
    %rem3A_328 = arith.remsi %scan3A_310, %jit3A_311 : i32
    %ne3A_329 = arith.constant 0 : i32
    %ne3A_330 = arith.cmpi ne, %rem3A_328, %ne3A_329 : i32
    %and3A_331 = arith.andi %ne3A_327, %ne3A_330 : i1
    %sub3A_332 = arith.constant 1 : i32
    %sub3A_333 = arith.subi %div3A_312, %sub3A_332 : i32
    %select_n3A_334 = arith.select %and3A_331, %sub3A_333, %div3A_312 : i32
    %jit3A_335 = arith.constant 8 : i32
    %eq3A_336 = arith.constant 0 : i32
    %eq3A_337 = arith.cmpi eq, %jit3A_335, %eq3A_336 : i32
    %jit3A_338 = arith.constant 1 : i32
    %select_n3A_339 = arith.select %eq3A_337, %jit3A_338, %jit3A_335 : i32
    %rem3A_340 = arith.remsi %scan3A_310, %select_n3A_339 : i32
    %ne3A_341 = arith.constant 0 : i32
    %ne3A_342 = arith.cmpi ne, %rem3A_340, %ne3A_341 : i32
    %lt3A_343 = arith.constant 0 : i32
    %lt3A_344 = arith.cmpi slt, %rem3A_340, %lt3A_343 : i32
    %lt3A_345 = arith.constant 0 : i32
    %lt3A_346 = arith.cmpi slt, %select_n3A_339, %lt3A_345 : i32
    %ne3A_347 = arith.xori %lt3A_344, %lt3A_346 : i1
    %and3A_348 = arith.andi %ne3A_347, %ne3A_342 : i1
    %add3A_349 = arith.addi %rem3A_340, %select_n3A_339 : i32
    %select_n3A_350 = arith.select %and3A_348, %add3A_349, %rem3A_340 : i32
    %mul3A_351 = arith.constant 16 : i32
    %mul3A_352 = arith.muli %select_n3A_350, %mul3A_351 : i32
    %get3A_353 = arith.index_cast %select_n3A_334 : i32 to index
    %get3A_354 = arith.index_cast %mul3A_352 : i32 to index
    %get3A_355 = tpu.vector_load %arg5[%get3A_353, %get3A_354] {strides = array<i32>} : memref<4x128xi32, #tpu.memory_space<vmem>>, vector<16xi32>,
    %shift_right_logical3A_356 = arith.constant 2 : i32
    %shift_right_logical3A_357 = vector.broadcast %shift_right_logical3A_356 : i32 to vector<16xi32>
    %shift_right_logical3A_358 = arith.shrui %get3A_355, %shift_right_logical3A_357 : vector<16xi32>
    %swap3A_359 = arith.index_cast %select_n3A_334 : i32 to index
    %swap3A_360 = arith.index_cast %mul3A_352 : i32 to index
    %swap3A_361 = tpu.vector_load %arg6[%swap3A_359, %swap3A_360] {strides = array<i32>} : memref<4x128xi32, #tpu.memory_space<vmem>>, vector<16xi32>,
    tpu.vector_store %arg6[%swap3A_359, %swap3A_360], %shift_right_logical3A_358 {strides = array<i32>} : memref<4x128xi32, #tpu.memory_space<vmem>>, vector<16xi32>,
    %scan3A_362 = arith.constant 0 : i32
    %scan3A_363 = arith.constant 7 : i32
    %jit3A_364 = arith.constant 8 : i32
    %div3A_365 = arith.divsi %scan3A_363, %jit3A_364 : i32
    %sign3A_366 = arith.constant 0 : i32
    %sign3A_367 = arith.cmpi sgt, %scan3A_363, %sign3A_366 : i32
    %sign3A_368 = arith.extui %sign3A_367 : i1 to i32
    %sign3A_369 = arith.constant 0 : i32
    %sign3A_370 = arith.cmpi slt, %scan3A_363, %sign3A_369 : i32
    %sign3A_371 = arith.extui %sign3A_370 : i1 to i32
    %sign3A_372 = arith.subi %sign3A_368, %sign3A_371 : i32
    %sign3A_373 = arith.constant 0 : i32
    %sign3A_374 = arith.cmpi sgt, %jit3A_364, %sign3A_373 : i32
    %sign3A_375 = arith.extui %sign3A_374 : i1 to i32
    %sign3A_376 = arith.constant 0 : i32
    %sign3A_377 = arith.cmpi slt, %jit3A_364, %sign3A_376 : i32
    %sign3A_378 = arith.extui %sign3A_377 : i1 to i32
    %sign3A_379 = arith.subi %sign3A_375, %sign3A_378 : i32
    %ne3A_380 = arith.cmpi ne, %sign3A_372, %sign3A_379 : i32
    %rem3A_381 = arith.remsi %scan3A_363, %jit3A_364 : i32
    %ne3A_382 = arith.constant 0 : i32
    %ne3A_383 = arith.cmpi ne, %rem3A_381, %ne3A_382 : i32
    %and3A_384 = arith.andi %ne3A_380, %ne3A_383 : i1
    %sub3A_385 = arith.constant 1 : i32
    %sub3A_386 = arith.subi %div3A_365, %sub3A_385 : i32
    %select_n3A_387 = arith.select %and3A_384, %sub3A_386, %div3A_365 : i32
    %jit3A_388 = arith.constant 8 : i32
    %eq3A_389 = arith.constant 0 : i32
    %eq3A_390 = arith.cmpi eq, %jit3A_388, %eq3A_389 : i32
    %jit3A_391 = arith.constant 1 : i32
    %select_n3A_392 = arith.select %eq3A_390, %jit3A_391, %jit3A_388 : i32
    %rem3A_393 = arith.remsi %scan3A_363, %select_n3A_392 : i32
    %ne3A_394 = arith.constant 0 : i32
    %ne3A_395 = arith.cmpi ne, %rem3A_393, %ne3A_394 : i32
    %lt3A_396 = arith.constant 0 : i32
    %lt3A_397 = arith.cmpi slt, %rem3A_393, %lt3A_396 : i32
    %lt3A_398 = arith.constant 0 : i32
    %lt3A_399 = arith.cmpi slt, %select_n3A_392, %lt3A_398 : i32
    %ne3A_400 = arith.xori %lt3A_397, %lt3A_399 : i1
    %and3A_401 = arith.andi %ne3A_400, %ne3A_395 : i1
    %add3A_402 = arith.addi %rem3A_393, %select_n3A_392 : i32
    %select_n3A_403 = arith.select %and3A_401, %add3A_402, %rem3A_393 : i32
    %mul3A_404 = arith.constant 16 : i32
    %mul3A_405 = arith.muli %select_n3A_403, %mul3A_404 : i32
    %get3A_406 = arith.index_cast %select_n3A_387 : i32 to index
    %get3A_407 = arith.index_cast %mul3A_405 : i32 to index
    %get3A_408 = tpu.vector_load %arg5[%get3A_406, %get3A_407] {strides = array<i32>} : memref<4x128xi32, #tpu.memory_space<vmem>>, vector<16xi32>,
    %shift_right_logical3A_409 = arith.constant 2 : i32
    %shift_right_logical3A_410 = vector.broadcast %shift_right_logical3A_409 : i32 to vector<16xi32>
    %shift_right_logical3A_411 = arith.shrui %get3A_408, %shift_right_logical3A_410 : vector<16xi32>
    %swap3A_412 = arith.index_cast %select_n3A_387 : i32 to index
    %swap3A_413 = arith.index_cast %mul3A_405 : i32 to index
    %swap3A_414 = tpu.vector_load %arg6[%swap3A_412, %swap3A_413] {strides = array<i32>} : memref<4x128xi32, #tpu.memory_space<vmem>>, vector<16xi32>,
    tpu.vector_store %arg6[%swap3A_412, %swap3A_413], %shift_right_logical3A_411 {strides = array<i32>} : memref<4x128xi32, #tpu.memory_space<vmem>>, vector<16xi32>,
    %scan3A_415 = arith.constant 0 : i32
    %scan3A_416 = arith.constant 8 : i32
    %jit3A_417 = arith.constant 8 : i32
    %div3A_418 = arith.divsi %scan3A_416, %jit3A_417 : i32
    %sign3A_419 = arith.constant 0 : i32
    %sign3A_420 = arith.cmpi sgt, %scan3A_416, %sign3A_419 : i32
    %sign3A_421 = arith.extui %sign3A_420 : i1 to i32
    %sign3A_422 = arith.constant 0 : i32
    %sign3A_423 = arith.cmpi slt, %scan3A_416, %sign3A_422 : i32
    %sign3A_424 = arith.extui %sign3A_423 : i1 to i32
    %sign3A_425 = arith.subi %sign3A_421, %sign3A_424 : i32
    %sign3A_426 = arith.constant 0 : i32
    %sign3A_427 = arith.cmpi sgt, %jit3A_417, %sign3A_426 : i32
    %sign3A_428 = arith.extui %sign3A_427 : i1 to i32
    %sign3A_429 = arith.constant 0 : i32
    %sign3A_430 = arith.cmpi slt, %jit3A_417, %sign3A_429 : i32
    %sign3A_431 = arith.extui %sign3A_430 : i1 to i32
    %sign3A_432 = arith.subi %sign3A_428, %sign3A_431 : i32
    %ne3A_433 = arith.cmpi ne, %sign3A_425, %sign3A_432 : i32
    %rem3A_434 = arith.remsi %scan3A_416, %jit3A_417 : i32
    %ne3A_435 = arith.constant 0 : i32
    %ne3A_436 = arith.cmpi ne, %rem3A_434, %ne3A_435 : i32
    %and3A_437 = arith.andi %ne3A_433, %ne3A_436 : i1
    %sub3A_438 = arith.constant 1 : i32
    %sub3A_439 = arith.subi %div3A_418, %sub3A_438 : i32
    %select_n3A_440 = arith.select %and3A_437, %sub3A_439, %div3A_418 : i32
    %jit3A_441 = arith.constant 8 : i32
    %eq3A_442 = arith.constant 0 : i32
    %eq3A_443 = arith.cmpi eq, %jit3A_441, %eq3A_442 : i32
    %jit3A_444 = arith.constant 1 : i32
    %select_n3A_445 = arith.select %eq3A_443, %jit3A_444, %jit3A_441 : i32
    %rem3A_446 = arith.remsi %scan3A_416, %select_n3A_445 : i32
    %ne3A_447 = arith.constant 0 : i32
    %ne3A_448 = arith.cmpi ne, %rem3A_446, %ne3A_447 : i32
    %lt3A_449 = arith.constant 0 : i32
    %lt3A_450 = arith.cmpi slt, %rem3A_446, %lt3A_449 : i32
    %lt3A_451 = arith.constant 0 : i32
    %lt3A_452 = arith.cmpi slt, %select_n3A_445, %lt3A_451 : i32
    %ne3A_453 = arith.xori %lt3A_450, %lt3A_452 : i1
    %and3A_454 = arith.andi %ne3A_453, %ne3A_448 : i1
    %add3A_455 = arith.addi %rem3A_446, %select_n3A_445 : i32
    %select_n3A_456 = arith.select %and3A_454, %add3A_455, %rem3A_446 : i32
    %mul3A_457 = arith.constant 16 : i32
    %mul3A_458 = arith.muli %select_n3A_456, %mul3A_457 : i32
    %get3A_459 = arith.index_cast %select_n3A_440 : i32 to index
    %get3A_460 = arith.index_cast %mul3A_458 : i32 to index
    %get3A_461 = tpu.vector_load %arg5[%get3A_459, %get3A_460] {strides = array<i32>} : memref<4x128xi32, #tpu.memory_space<vmem>>, vector<16xi32>,
    %shift_right_logical3A_462 = arith.constant 2 : i32
    %shift_right_logical3A_463 = vector.broadcast %shift_right_logical3A_462 : i32 to vector<16xi32>
    %shift_right_logical3A_464 = arith.shrui %get3A_461, %shift_right_logical3A_463 : vector<16xi32>
    %swap3A_465 = arith.index_cast %select_n3A_440 : i32 to index
    %swap3A_466 = arith.index_cast %mul3A_458 : i32 to index
    %swap3A_467 = tpu.vector_load %arg6[%swap3A_465, %swap3A_466] {strides = array<i32>} : memref<4x128xi32, #tpu.memory_space<vmem>>, vector<16xi32>,
    tpu.vector_store %arg6[%swap3A_465, %swap3A_466], %shift_right_logical3A_464 {strides = array<i32>} : memref<4x128xi32, #tpu.memory_space<vmem>>, vector<16xi32>,
    %scan3A_468 = arith.constant 0 : i32
    %scan3A_469 = arith.constant 9 : i32
    %jit3A_470 = arith.constant 8 : i32
    %div3A_471 = arith.divsi %scan3A_469, %jit3A_470 : i32
    %sign3A_472 = arith.constant 0 : i32
    %sign3A_473 = arith.cmpi sgt, %scan3A_469, %sign3A_472 : i32
    %sign3A_474 = arith.extui %sign3A_473 : i1 to i32
    %sign3A_475 = arith.constant 0 : i32
    %sign3A_476 = arith.cmpi slt, %scan3A_469, %sign3A_475 : i32
    %sign3A_477 = arith.extui %sign3A_476 : i1 to i32
    %sign3A_478 = arith.subi %sign3A_474, %sign3A_477 : i32
    %sign3A_479 = arith.constant 0 : i32
    %sign3A_480 = arith.cmpi sgt, %jit3A_470, %sign3A_479 : i32
    %sign3A_481 = arith.extui %sign3A_480 : i1 to i32
    %sign3A_482 = arith.constant 0 : i32
    %sign3A_483 = arith.cmpi slt, %jit3A_470, %sign3A_482 : i32
    %sign3A_484 = arith.extui %sign3A_483 : i1 to i32
    %sign3A_485 = arith.subi %sign3A_481, %sign3A_484 : i32
    %ne3A_486 = arith.cmpi ne, %sign3A_478, %sign3A_485 : i32
    %rem3A_487 = arith.remsi %scan3A_469, %jit3A_470 : i32
    %ne3A_488 = arith.constant 0 : i32
    %ne3A_489 = arith.cmpi ne, %rem3A_487, %ne3A_488 : i32
    %and3A_490 = arith.andi %ne3A_486, %ne3A_489 : i1
    %sub3A_491 = arith.constant 1 : i32
    %sub3A_492 = arith.subi %div3A_471, %sub3A_491 : i32
    %select_n3A_493 = arith.select %and3A_490, %sub3A_492, %div3A_471 : i32
    %jit3A_494 = arith.constant 8 : i32
    %eq3A_495 = arith.constant 0 : i32
    %eq3A_496 = arith.cmpi eq, %jit3A_494, %eq3A_495 : i32
    %jit3A_497 = arith.constant 1 : i32
    %select_n3A_498 = arith.select %eq3A_496, %jit3A_497, %jit3A_494 : i32
    %rem3A_499 = arith.remsi %scan3A_469, %select_n3A_498 : i32
    %ne3A_500 = arith.constant 0 : i32
    %ne3A_501 = arith.cmpi ne, %rem3A_499, %ne3A_500 : i32
    %lt3A_502 = arith.constant 0 : i32
    %lt3A_503 = arith.cmpi slt, %rem3A_499, %lt3A_502 : i32
    %lt3A_504 = arith.constant 0 : i32
    %lt3A_505 = arith.cmpi slt, %select_n3A_498, %lt3A_504 : i32
    %ne3A_506 = arith.xori %lt3A_503, %lt3A_505 : i1
    %and3A_507 = arith.andi %ne3A_506, %ne3A_501 : i1
    %add3A_508 = arith.addi %rem3A_499, %select_n3A_498 : i32
    %select_n3A_509 = arith.select %and3A_507, %add3A_508, %rem3A_499 : i32
    %mul3A_510 = arith.constant 16 : i32
    %mul3A_511 = arith.muli %select_n3A_509, %mul3A_510 : i32
    %get3A_512 = arith.index_cast %select_n3A_493 : i32 to index
    %get3A_513 = arith.index_cast %mul3A_511 : i32 to index
    %get3A_514 = tpu.vector_load %arg5[%get3A_512, %get3A_513] {strides = array<i32>} : memref<4x128xi32, #tpu.memory_space<vmem>>, vector<16xi32>,
    %shift_right_logical3A_515 = arith.constant 2 : i32
    %shift_right_logical3A_516 = vector.broadcast %shift_right_logical3A_515 : i32 to vector<16xi32>
    %shift_right_logical3A_517 = arith.shrui %get3A_514, %shift_right_logical3A_516 : vector<16xi32>
    %swap3A_518 = arith.index_cast %select_n3A_493 : i32 to index
    %swap3A_519 = arith.index_cast %mul3A_511 : i32 to index
    %swap3A_520 = tpu.vector_load %arg6[%swap3A_518, %swap3A_519] {strides = array<i32>} : memref<4x128xi32, #tpu.memory_space<vmem>>, vector<16xi32>,
    tpu.vector_store %arg6[%swap3A_518, %swap3A_519], %shift_right_logical3A_517 {strides = array<i32>} : memref<4x128xi32, #tpu.memory_space<vmem>>, vector<16xi32>,
    %scan3A_521 = arith.constant 0 : i32
    %scan3A_522 = arith.constant 10 : i32
    %jit3A_523 = arith.constant 8 : i32
    %div3A_524 = arith.divsi %scan3A_522, %jit3A_523 : i32
    %sign3A_525 = arith.constant 0 : i32
    %sign3A_526 = arith.cmpi sgt, %scan3A_522, %sign3A_525 : i32
    %sign3A_527 = arith.extui %sign3A_526 : i1 to i32
    %sign3A_528 = arith.constant 0 : i32
    %sign3A_529 = arith.cmpi slt, %scan3A_522, %sign3A_528 : i32
    %sign3A_530 = arith.extui %sign3A_529 : i1 to i32
    %sign3A_531 = arith.subi %sign3A_527, %sign3A_530 : i32
    %sign3A_532 = arith.constant 0 : i32
    %sign3A_533 = arith.cmpi sgt, %jit3A_523, %sign3A_532 : i32
    %sign3A_534 = arith.extui %sign3A_533 : i1 to i32
    %sign3A_535 = arith.constant 0 : i32
    %sign3A_536 = arith.cmpi slt, %jit3A_523, %sign3A_535 : i32
    %sign3A_537 = arith.extui %sign3A_536 : i1 to i32
    %sign3A_538 = arith.subi %sign3A_534, %sign3A_537 : i32
    %ne3A_539 = arith.cmpi ne, %sign3A_531, %sign3A_538 : i32
    %rem3A_540 = arith.remsi %scan3A_522, %jit3A_523 : i32
    %ne3A_541 = arith.constant 0 : i32
    %ne3A_542 = arith.cmpi ne, %rem3A_540, %ne3A_541 : i32
    %and3A_543 = arith.andi %ne3A_539, %ne3A_542 : i1
    %sub3A_544 = arith.constant 1 : i32
    %sub3A_545 = arith.subi %div3A_524, %sub3A_544 : i32
    %select_n3A_546 = arith.select %and3A_543, %sub3A_545, %div3A_524 : i32
    %jit3A_547 = arith.constant 8 : i32
    %eq3A_548 = arith.constant 0 : i32
    %eq3A_549 = arith.cmpi eq, %jit3A_547, %eq3A_548 : i32
    %jit3A_550 = arith.constant 1 : i32
    %select_n3A_551 = arith.select %eq3A_549, %jit3A_550, %jit3A_547 : i32
    %rem3A_552 = arith.remsi %scan3A_522, %select_n3A_551 : i32
    %ne3A_553 = arith.constant 0 : i32
    %ne3A_554 = arith.cmpi ne, %rem3A_552, %ne3A_553 : i32
    %lt3A_555 = arith.constant 0 : i32
    %lt3A_556 = arith.cmpi slt, %rem3A_552, %lt3A_555 : i32
    %lt3A_557 = arith.constant 0 : i32
    %lt3A_558 = arith.cmpi slt, %select_n3A_551, %lt3A_557 : i32
    %ne3A_559 = arith.xori %lt3A_556, %lt3A_558 : i1
    %and3A_560 = arith.andi %ne3A_559, %ne3A_554 : i1
    %add3A_561 = arith.addi %rem3A_552, %select_n3A_551 : i32
    %select_n3A_562 = arith.select %and3A_560, %add3A_561, %rem3A_552 : i32
    %mul3A_563 = arith.constant 16 : i32
    %mul3A_564 = arith.muli %select_n3A_562, %mul3A_563 : i32
    %get3A_565 = arith.index_cast %select_n3A_546 : i32 to index
    %get3A_566 = arith.index_cast %mul3A_564 : i32 to index
    %get3A_567 = tpu.vector_load %arg5[%get3A_565, %get3A_566] {strides = array<i32>} : memref<4x128xi32, #tpu.memory_space<vmem>>, vector<16xi32>,
    %shift_right_logical3A_568 = arith.constant 2 : i32
    %shift_right_logical3A_569 = vector.broadcast %shift_right_logical3A_568 : i32 to vector<16xi32>
    %shift_right_logical3A_570 = arith.shrui %get3A_567, %shift_right_logical3A_569 : vector<16xi32>
    %swap3A_571 = arith.index_cast %select_n3A_546 : i32 to index
    %swap3A_572 = arith.index_cast %mul3A_564 : i32 to index
    %swap3A_573 = tpu.vector_load %arg6[%swap3A_571, %swap3A_572] {strides = array<i32>} : memref<4x128xi32, #tpu.memory_space<vmem>>, vector<16xi32>,
    tpu.vector_store %arg6[%swap3A_571, %swap3A_572], %shift_right_logical3A_570 {strides = array<i32>} : memref<4x128xi32, #tpu.memory_space<vmem>>, vector<16xi32>,
    %scan3A_574 = arith.constant 0 : i32
    %scan3A_575 = arith.constant 11 : i32
    %jit3A_576 = arith.constant 8 : i32
    %div3A_577 = arith.divsi %scan3A_575, %jit3A_576 : i32
    %sign3A_578 = arith.constant 0 : i32
    %sign3A_579 = arith.cmpi sgt, %scan3A_575, %sign3A_578 : i32
    %sign3A_580 = arith.extui %sign3A_579 : i1 to i32
    %sign3A_581 = arith.constant 0 : i32
    %sign3A_582 = arith.cmpi slt, %scan3A_575, %sign3A_581 : i32
    %sign3A_583 = arith.extui %sign3A_582 : i1 to i32
    %sign3A_584 = arith.subi %sign3A_580, %sign3A_583 : i32
    %sign3A_585 = arith.constant 0 : i32
    %sign3A_586 = arith.cmpi sgt, %jit3A_576, %sign3A_585 : i32
    %sign3A_587 = arith.extui %sign3A_586 : i1 to i32
    %sign3A_588 = arith.constant 0 : i32
    %sign3A_589 = arith.cmpi slt, %jit3A_576, %sign3A_588 : i32
    %sign3A_590 = arith.extui %sign3A_589 : i1 to i32
    %sign3A_591 = arith.subi %sign3A_587, %sign3A_590 : i32
    %ne3A_592 = arith.cmpi ne, %sign3A_584, %sign3A_591 : i32
    %rem3A_593 = arith.remsi %scan3A_575, %jit3A_576 : i32
    %ne3A_594 = arith.constant 0 : i32
    %ne3A_595 = arith.cmpi ne, %rem3A_593, %ne3A_594 : i32
    %and3A_596 = arith.andi %ne3A_592, %ne3A_595 : i1
    %sub3A_597 = arith.constant 1 : i32
    %sub3A_598 = arith.subi %div3A_577, %sub3A_597 : i32
    %select_n3A_599 = arith.select %and3A_596, %sub3A_598, %div3A_577 : i32
    %jit3A_600 = arith.constant 8 : i32
    %eq3A_601 = arith.constant 0 : i32
    %eq3A_602 = arith.cmpi eq, %jit3A_600, %eq3A_601 : i32
    %jit3A_603 = arith.constant 1 : i32
    %select_n3A_604 = arith.select %eq3A_602, %jit3A_603, %jit3A_600 : i32
    %rem3A_605 = arith.remsi %scan3A_575, %select_n3A_604 : i32
    %ne3A_606 = arith.constant 0 : i32
    %ne3A_607 = arith.cmpi ne, %rem3A_605, %ne3A_606 : i32
    %lt3A_608 = arith.constant 0 : i32
    %lt3A_609 = arith.cmpi slt, %rem3A_605, %lt3A_608 : i32
    %lt3A_610 = arith.constant 0 : i32
    %lt3A_611 = arith.cmpi slt, %select_n3A_604, %lt3A_610 : i32
    %ne3A_612 = arith.xori %lt3A_609, %lt3A_611 : i1
    %and3A_613 = arith.andi %ne3A_612, %ne3A_607 : i1
    %add3A_614 = arith.addi %rem3A_605, %select_n3A_604 : i32
    %select_n3A_615 = arith.select %and3A_613, %add3A_614, %rem3A_605 : i32
    %mul3A_616 = arith.constant 16 : i32
    %mul3A_617 = arith.muli %select_n3A_615, %mul3A_616 : i32
    %get3A_618 = arith.index_cast %select_n3A_599 : i32 to index
    %get3A_619 = arith.index_cast %mul3A_617 : i32 to index
    %get3A_620 = tpu.vector_load %arg5[%get3A_618, %get3A_619] {strides = array<i32>} : memref<4x128xi32, #tpu.memory_space<vmem>>, vector<16xi32>,
    %shift_right_logical3A_621 = arith.constant 2 : i32
    %shift_right_logical3A_622 = vector.broadcast %shift_right_logical3A_621 : i32 to vector<16xi32>
    %shift_right_logical3A_623 = arith.shrui %get3A_620, %shift_right_logical3A_622 : vector<16xi32>
    %swap3A_624 = arith.index_cast %select_n3A_599 : i32 to index
    %swap3A_625 = arith.index_cast %mul3A_617 : i32 to index
    %swap3A_626 = tpu.vector_load %arg6[%swap3A_624, %swap3A_625] {strides = array<i32>} : memref<4x128xi32, #tpu.memory_space<vmem>>, vector<16xi32>,
    tpu.vector_store %arg6[%swap3A_624, %swap3A_625], %shift_right_logical3A_623 {strides = array<i32>} : memref<4x128xi32, #tpu.memory_space<vmem>>, vector<16xi32>,
    %scan3A_627 = arith.constant 0 : i32
    %scan3A_628 = arith.constant 12 : i32
    %jit3A_629 = arith.constant 8 : i32
    %div3A_630 = arith.divsi %scan3A_628, %jit3A_629 : i32
    %sign3A_631 = arith.constant 0 : i32
    %sign3A_632 = arith.cmpi sgt, %scan3A_628, %sign3A_631 : i32
    %sign3A_633 = arith.extui %sign3A_632 : i1 to i32
    %sign3A_634 = arith.constant 0 : i32
    %sign3A_635 = arith.cmpi slt, %scan3A_628, %sign3A_634 : i32
    %sign3A_636 = arith.extui %sign3A_635 : i1 to i32
    %sign3A_637 = arith.subi %sign3A_633, %sign3A_636 : i32
    %sign3A_638 = arith.constant 0 : i32
    %sign3A_639 = arith.cmpi sgt, %jit3A_629, %sign3A_638 : i32
    %sign3A_640 = arith.extui %sign3A_639 : i1 to i32
    %sign3A_641 = arith.constant 0 : i32
    %sign3A_642 = arith.cmpi slt, %jit3A_629, %sign3A_641 : i32
    %sign3A_643 = arith.extui %sign3A_642 : i1 to i32
    %sign3A_644 = arith.subi %sign3A_640, %sign3A_643 : i32
    %ne3A_645 = arith.cmpi ne, %sign3A_637, %sign3A_644 : i32
    %rem3A_646 = arith.remsi %scan3A_628, %jit3A_629 : i32
    %ne3A_647 = arith.constant 0 : i32
    %ne3A_648 = arith.cmpi ne, %rem3A_646, %ne3A_647 : i32
    %and3A_649 = arith.andi %ne3A_645, %ne3A_648 : i1
    %sub3A_650 = arith.constant 1 : i32
    %sub3A_651 = arith.subi %div3A_630, %sub3A_650 : i32
    %select_n3A_652 = arith.select %and3A_649, %sub3A_651, %div3A_630 : i32
    %jit3A_653 = arith.constant 8 : i32
    %eq3A_654 = arith.constant 0 : i32
    %eq3A_655 = arith.cmpi eq, %jit3A_653, %eq3A_654 : i32
    %jit3A_656 = arith.constant 1 : i32
    %select_n3A_657 = arith.select %eq3A_655, %jit3A_656, %jit3A_653 : i32
    %rem3A_658 = arith.remsi %scan3A_628, %select_n3A_657 : i32
    %ne3A_659 = arith.constant 0 : i32
    %ne3A_660 = arith.cmpi ne, %rem3A_658, %ne3A_659 : i32
    %lt3A_661 = arith.constant 0 : i32
    %lt3A_662 = arith.cmpi slt, %rem3A_658, %lt3A_661 : i32
    %lt3A_663 = arith.constant 0 : i32
    %lt3A_664 = arith.cmpi slt, %select_n3A_657, %lt3A_663 : i32
    %ne3A_665 = arith.xori %lt3A_662, %lt3A_664 : i1
    %and3A_666 = arith.andi %ne3A_665, %ne3A_660 : i1
    %add3A_667 = arith.addi %rem3A_658, %select_n3A_657 : i32
    %select_n3A_668 = arith.select %and3A_666, %add3A_667, %rem3A_658 : i32
    %mul3A_669 = arith.constant 16 : i32
    %mul3A_670 = arith.muli %select_n3A_668, %mul3A_669 : i32
    %get3A_671 = arith.index_cast %select_n3A_652 : i32 to index
    %get3A_672 = arith.index_cast %mul3A_670 : i32 to index
    %get3A_673 = tpu.vector_load %arg5[%get3A_671, %get3A_672] {strides = array<i32>} : memref<4x128xi32, #tpu.memory_space<vmem>>, vector<16xi32>,
    %shift_right_logical3A_674 = arith.constant 2 : i32
    %shift_right_logical3A_675 = vector.broadcast %shift_right_logical3A_674 : i32 to vector<16xi32>
    %shift_right_logical3A_676 = arith.shrui %get3A_673, %shift_right_logical3A_675 : vector<16xi32>
    %swap3A_677 = arith.index_cast %select_n3A_652 : i32 to index
    %swap3A_678 = arith.index_cast %mul3A_670 : i32 to index
    %swap3A_679 = tpu.vector_load %arg6[%swap3A_677, %swap3A_678] {strides = array<i32>} : memref<4x128xi32, #tpu.memory_space<vmem>>, vector<16xi32>,
    tpu.vector_store %arg6[%swap3A_677, %swap3A_678], %shift_right_logical3A_676 {strides = array<i32>} : memref<4x128xi32, #tpu.memory_space<vmem>>, vector<16xi32>,
    %scan3A_680 = arith.constant 0 : i32
    %scan3A_681 = arith.constant 13 : i32
    %jit3A_682 = arith.constant 8 : i32
    %div3A_683 = arith.divsi %scan3A_681, %jit3A_682 : i32
    %sign3A_684 = arith.constant 0 : i32
    %sign3A_685 = arith.cmpi sgt, %scan3A_681, %sign3A_684 : i32
    %sign3A_686 = arith.extui %sign3A_685 : i1 to i32
    %sign3A_687 = arith.constant 0 : i32
    %sign3A_688 = arith.cmpi slt, %scan3A_681, %sign3A_687 : i32
    %sign3A_689 = arith.extui %sign3A_688 : i1 to i32
    %sign3A_690 = arith.subi %sign3A_686, %sign3A_689 : i32
    %sign3A_691 = arith.constant 0 : i32
    %sign3A_692 = arith.cmpi sgt, %jit3A_682, %sign3A_691 : i32
    %sign3A_693 = arith.extui %sign3A_692 : i1 to i32
    %sign3A_694 = arith.constant 0 : i32
    %sign3A_695 = arith.cmpi slt, %jit3A_682, %sign3A_694 : i32
    %sign3A_696 = arith.extui %sign3A_695 : i1 to i32
    %sign3A_697 = arith.subi %sign3A_693, %sign3A_696 : i32
    %ne3A_698 = arith.cmpi ne, %sign3A_690, %sign3A_697 : i32
    %rem3A_699 = arith.remsi %scan3A_681, %jit3A_682 : i32
    %ne3A_700 = arith.constant 0 : i32
    %ne3A_701 = arith.cmpi ne, %rem3A_699, %ne3A_700 : i32
    %and3A_702 = arith.andi %ne3A_698, %ne3A_701 : i1
    %sub3A_703 = arith.constant 1 : i32
    %sub3A_704 = arith.subi %div3A_683, %sub3A_703 : i32
    %select_n3A_705 = arith.select %and3A_702, %sub3A_704, %div3A_683 : i32
    %jit3A_706 = arith.constant 8 : i32
    %eq3A_707 = arith.constant 0 : i32
    %eq3A_708 = arith.cmpi eq, %jit3A_706, %eq3A_707 : i32
    %jit3A_709 = arith.constant 1 : i32
    %select_n3A_710 = arith.select %eq3A_708, %jit3A_709, %jit3A_706 : i32
    %rem3A_711 = arith.remsi %scan3A_681, %select_n3A_710 : i32
    %ne3A_712 = arith.constant 0 : i32
    %ne3A_713 = arith.cmpi ne, %rem3A_711, %ne3A_712 : i32
    %lt3A_714 = arith.constant 0 : i32
    %lt3A_715 = arith.cmpi slt, %rem3A_711, %lt3A_714 : i32
    %lt3A_716 = arith.constant 0 : i32
    %lt3A_717 = arith.cmpi slt, %select_n3A_710, %lt3A_716 : i32
    %ne3A_718 = arith.xori %lt3A_715, %lt3A_717 : i1
    %and3A_719 = arith.andi %ne3A_718, %ne3A_713 : i1
    %add3A_720 = arith.addi %rem3A_711, %select_n3A_710 : i32
    %select_n3A_721 = arith.select %and3A_719, %add3A_720, %rem3A_711 : i32
    %mul3A_722 = arith.constant 16 : i32
    %mul3A_723 = arith.muli %select_n3A_721, %mul3A_722 : i32
    %get3A_724 = arith.index_cast %select_n3A_705 : i32 to index
    %get3A_725 = arith.index_cast %mul3A_723 : i32 to index
    %get3A_726 = tpu.vector_load %arg5[%get3A_724, %get3A_725] {strides = array<i32>} : memref<4x128xi32, #tpu.memory_space<vmem>>, vector<16xi32>,
    %shift_right_logical3A_727 = arith.constant 2 : i32
    %shift_right_logical3A_728 = vector.broadcast %shift_right_logical3A_727 : i32 to vector<16xi32>
    %shift_right_logical3A_729 = arith.shrui %get3A_726, %shift_right_logical3A_728 : vector<16xi32>
    %swap3A_730 = arith.index_cast %select_n3A_705 : i32 to index
    %swap3A_731 = arith.index_cast %mul3A_723 : i32 to index
    %swap3A_732 = tpu.vector_load %arg6[%swap3A_730, %swap3A_731] {strides = array<i32>} : memref<4x128xi32, #tpu.memory_space<vmem>>, vector<16xi32>,
    tpu.vector_store %arg6[%swap3A_730, %swap3A_731], %shift_right_logical3A_729 {strides = array<i32>} : memref<4x128xi32, #tpu.memory_space<vmem>>, vector<16xi32>,
    %scan3A_733 = arith.constant 0 : i32
    %scan3A_734 = arith.constant 14 : i32
    %jit3A_735 = arith.constant 8 : i32
    %div3A_736 = arith.divsi %scan3A_734, %jit3A_735 : i32
    %sign3A_737 = arith.constant 0 : i32
    %sign3A_738 = arith.cmpi sgt, %scan3A_734, %sign3A_737 : i32
    %sign3A_739 = arith.extui %sign3A_738 : i1 to i32
    %sign3A_740 = arith.constant 0 : i32
    %sign3A_741 = arith.cmpi slt, %scan3A_734, %sign3A_740 : i32
    %sign3A_742 = arith.extui %sign3A_741 : i1 to i32
    %sign3A_743 = arith.subi %sign3A_739, %sign3A_742 : i32
    %sign3A_744 = arith.constant 0 : i32
    %sign3A_745 = arith.cmpi sgt, %jit3A_735, %sign3A_744 : i32
    %sign3A_746 = arith.extui %sign3A_745 : i1 to i32
    %sign3A_747 = arith.constant 0 : i32
    %sign3A_748 = arith.cmpi slt, %jit3A_735, %sign3A_747 : i32
    %sign3A_749 = arith.extui %sign3A_748 : i1 to i32
    %sign3A_750 = arith.subi %sign3A_746, %sign3A_749 : i32
    %ne3A_751 = arith.cmpi ne, %sign3A_743, %sign3A_750 : i32
    %rem3A_752 = arith.remsi %scan3A_734, %jit3A_735 : i32
    %ne3A_753 = arith.constant 0 : i32
    %ne3A_754 = arith.cmpi ne, %rem3A_752, %ne3A_753 : i32
    %and3A_755 = arith.andi %ne3A_751, %ne3A_754 : i1
    %sub3A_756 = arith.constant 1 : i32
    %sub3A_757 = arith.subi %div3A_736, %sub3A_756 : i32
    %select_n3A_758 = arith.select %and3A_755, %sub3A_757, %div3A_736 : i32
    %jit3A_759 = arith.constant 8 : i32
    %eq3A_760 = arith.constant 0 : i32
    %eq3A_761 = arith.cmpi eq, %jit3A_759, %eq3A_760 : i32
    %jit3A_762 = arith.constant 1 : i32
    %select_n3A_763 = arith.select %eq3A_761, %jit3A_762, %jit3A_759 : i32
    %rem3A_764 = arith.remsi %scan3A_734, %select_n3A_763 : i32
    %ne3A_765 = arith.constant 0 : i32
    %ne3A_766 = arith.cmpi ne, %rem3A_764, %ne3A_765 : i32
    %lt3A_767 = arith.constant 0 : i32
    %lt3A_768 = arith.cmpi slt, %rem3A_764, %lt3A_767 : i32
    %lt3A_769 = arith.constant 0 : i32
    %lt3A_770 = arith.cmpi slt, %select_n3A_763, %lt3A_769 : i32
    %ne3A_771 = arith.xori %lt3A_768, %lt3A_770 : i1
    %and3A_772 = arith.andi %ne3A_771, %ne3A_766 : i1
    %add3A_773 = arith.addi %rem3A_764, %select_n3A_763 : i32
    %select_n3A_774 = arith.select %and3A_772, %add3A_773, %rem3A_764 : i32
    %mul3A_775 = arith.constant 16 : i32
    %mul3A_776 = arith.muli %select_n3A_774, %mul3A_775 : i32
    %get3A_777 = arith.index_cast %select_n3A_758 : i32 to index
    %get3A_778 = arith.index_cast %mul3A_776 : i32 to index
    %get3A_779 = tpu.vector_load %arg5[%get3A_777, %get3A_778] {strides = array<i32>} : memref<4x128xi32, #tpu.memory_space<vmem>>, vector<16xi32>,
    %shift_right_logical3A_780 = arith.constant 2 : i32
    %shift_right_logical3A_781 = vector.broadcast %shift_right_logical3A_780 : i32 to vector<16xi32>
    %shift_right_logical3A_782 = arith.shrui %get3A_779, %shift_right_logical3A_781 : vector<16xi32>
    %swap3A_783 = arith.index_cast %select_n3A_758 : i32 to index
    %swap3A_784 = arith.index_cast %mul3A_776 : i32 to index
    %swap3A_785 = tpu.vector_load %arg6[%swap3A_783, %swap3A_784] {strides = array<i32>} : memref<4x128xi32, #tpu.memory_space<vmem>>, vector<16xi32>,
    tpu.vector_store %arg6[%swap3A_783, %swap3A_784], %shift_right_logical3A_782 {strides = array<i32>} : memref<4x128xi32, #tpu.memory_space<vmem>>, vector<16xi32>,
    %scan3A_786 = arith.constant 0 : i32
    %scan3A_787 = arith.constant 15 : i32
    %jit3A_788 = arith.constant 8 : i32
    %div3A_789 = arith.divsi %scan3A_787, %jit3A_788 : i32
    %sign3A_790 = arith.constant 0 : i32
    %sign3A_791 = arith.cmpi sgt, %scan3A_787, %sign3A_790 : i32
    %sign3A_792 = arith.extui %sign3A_791 : i1 to i32
    %sign3A_793 = arith.constant 0 : i32
    %sign3A_794 = arith.cmpi slt, %scan3A_787, %sign3A_793 : i32
    %sign3A_795 = arith.extui %sign3A_794 : i1 to i32
    %sign3A_796 = arith.subi %sign3A_792, %sign3A_795 : i32
    %sign3A_797 = arith.constant 0 : i32
    %sign3A_798 = arith.cmpi sgt, %jit3A_788, %sign3A_797 : i32
    %sign3A_799 = arith.extui %sign3A_798 : i1 to i32
    %sign3A_800 = arith.constant 0 : i32
    %sign3A_801 = arith.cmpi slt, %jit3A_788, %sign3A_800 : i32
    %sign3A_802 = arith.extui %sign3A_801 : i1 to i32
    %sign3A_803 = arith.subi %sign3A_799, %sign3A_802 : i32
    %ne3A_804 = arith.cmpi ne, %sign3A_796, %sign3A_803 : i32
    %rem3A_805 = arith.remsi %scan3A_787, %jit3A_788 : i32
    %ne3A_806 = arith.constant 0 : i32
    %ne3A_807 = arith.cmpi ne, %rem3A_805, %ne3A_806 : i32
    %and3A_808 = arith.andi %ne3A_804, %ne3A_807 : i1
    %sub3A_809 = arith.constant 1 : i32
    %sub3A_810 = arith.subi %div3A_789, %sub3A_809 : i32
    %select_n3A_811 = arith.select %and3A_808, %sub3A_810, %div3A_789 : i32
    %jit3A_812 = arith.constant 8 : i32
    %eq3A_813 = arith.constant 0 : i32
    %eq3A_814 = arith.cmpi eq, %jit3A_812, %eq3A_813 : i32
    %jit3A_815 = arith.constant 1 : i32
    %select_n3A_816 = arith.select %eq3A_814, %jit3A_815, %jit3A_812 : i32
    %rem3A_817 = arith.remsi %scan3A_787, %select_n3A_816 : i32
    %ne3A_818 = arith.constant 0 : i32
    %ne3A_819 = arith.cmpi ne, %rem3A_817, %ne3A_818 : i32
    %lt3A_820 = arith.constant 0 : i32
    %lt3A_821 = arith.cmpi slt, %rem3A_817, %lt3A_820 : i32
    %lt3A_822 = arith.constant 0 : i32
    %lt3A_823 = arith.cmpi slt, %select_n3A_816, %lt3A_822 : i32
    %ne3A_824 = arith.xori %lt3A_821, %lt3A_823 : i1
    %and3A_825 = arith.andi %ne3A_824, %ne3A_819 : i1
    %add3A_826 = arith.addi %rem3A_817, %select_n3A_816 : i32
    %select_n3A_827 = arith.select %and3A_825, %add3A_826, %rem3A_817 : i32
    %mul3A_828 = arith.constant 16 : i32
    %mul3A_829 = arith.muli %select_n3A_827, %mul3A_828 : i32
    %get3A_830 = arith.index_cast %select_n3A_811 : i32 to index
    %get3A_831 = arith.index_cast %mul3A_829 : i32 to index
    %get3A_832 = tpu.vector_load %arg5[%get3A_830, %get3A_831] {strides = array<i32>} : memref<4x128xi32, #tpu.memory_space<vmem>>, vector<16xi32>,
    %shift_right_logical3A_833 = arith.constant 2 : i32
    %shift_right_logical3A_834 = vector.broadcast %shift_right_logical3A_833 : i32 to vector<16xi32>
    %shift_right_logical3A_835 = arith.shrui %get3A_832, %shift_right_logical3A_834 : vector<16xi32>
    %swap3A_836 = arith.index_cast %select_n3A_811 : i32 to index
    %swap3A_837 = arith.index_cast %mul3A_829 : i32 to index
    %swap3A_838 = tpu.vector_load %arg6[%swap3A_836, %swap3A_837] {strides = array<i32>} : memref<4x128xi32, #tpu.memory_space<vmem>>, vector<16xi32>,
    tpu.vector_store %arg6[%swap3A_836, %swap3A_837], %shift_right_logical3A_835 {strides = array<i32>} : memref<4x128xi32, #tpu.memory_space<vmem>>, vector<16xi32>,
    %scan3A_839 = arith.constant 0 : i32
    %scan3A_840 = arith.constant 16 : i32
    %jit3A_841 = arith.constant 8 : i32
    %div3A_842 = arith.divsi %scan3A_840, %jit3A_841 : i32
    %sign3A_843 = arith.constant 0 : i32
    %sign3A_844 = arith.cmpi sgt, %scan3A_840, %sign3A_843 : i32
    %sign3A_845 = arith.extui %sign3A_844 : i1 to i32
    %sign3A_846 = arith.constant 0 : i32
    %sign3A_847 = arith.cmpi slt, %scan3A_840, %sign3A_846 : i32
    %sign3A_848 = arith.extui %sign3A_847 : i1 to i32
    %sign3A_849 = arith.subi %sign3A_845, %sign3A_848 : i32
    %sign3A_850 = arith.constant 0 : i32
    %sign3A_851 = arith.cmpi sgt, %jit3A_841, %sign3A_850 : i32
    %sign3A_852 = arith.extui %sign3A_851 : i1 to i32
    %sign3A_853 = arith.constant 0 : i32
    %sign3A_854 = arith.cmpi slt, %jit3A_841, %sign3A_853 : i32
    %sign3A_855 = arith.extui %sign3A_854 : i1 to i32
    %sign3A_856 = arith.subi %sign3A_852, %sign3A_855 : i32
    %ne3A_857 = arith.cmpi ne, %sign3A_849, %sign3A_856 : i32
    %rem3A_858 = arith.remsi %scan3A_840, %jit3A_841 : i32
    %ne3A_859 = arith.constant 0 : i32
    %ne3A_860 = arith.cmpi ne, %rem3A_858, %ne3A_859 : i32
    %and3A_861 = arith.andi %ne3A_857, %ne3A_860 : i1
    %sub3A_862 = arith.constant 1 : i32
    %sub3A_863 = arith.subi %div3A_842, %sub3A_862 : i32
    %select_n3A_864 = arith.select %and3A_861, %sub3A_863, %div3A_842 : i32
    %jit3A_865 = arith.constant 8 : i32
    %eq3A_866 = arith.constant 0 : i32
    %eq3A_867 = arith.cmpi eq, %jit3A_865, %eq3A_866 : i32
    %jit3A_868 = arith.constant 1 : i32
    %select_n3A_869 = arith.select %eq3A_867, %jit3A_868, %jit3A_865 : i32
    %rem3A_870 = arith.remsi %scan3A_840, %select_n3A_869 : i32
    %ne3A_871 = arith.constant 0 : i32
    %ne3A_872 = arith.cmpi ne, %rem3A_870, %ne3A_871 : i32
    %lt3A_873 = arith.constant 0 : i32
    %lt3A_874 = arith.cmpi slt, %rem3A_870, %lt3A_873 : i32
    %lt3A_875 = arith.constant 0 : i32
    %lt3A_876 = arith.cmpi slt, %select_n3A_869, %lt3A_875 : i32
    %ne3A_877 = arith.xori %lt3A_874, %lt3A_876 : i1
    %and3A_878 = arith.andi %ne3A_877, %ne3A_872 : i1
    %add3A_879 = arith.addi %rem3A_870, %select_n3A_869 : i32
    %select_n3A_880 = arith.select %and3A_878, %add3A_879, %rem3A_870 : i32
    %mul3A_881 = arith.constant 16 : i32
    %mul3A_882 = arith.muli %select_n3A_880, %mul3A_881 : i32
    %get3A_883 = arith.index_cast %select_n3A_864 : i32 to index
    %get3A_884 = arith.index_cast %mul3A_882 : i32 to index
    %get3A_885 = tpu.vector_load %arg5[%get3A_883, %get3A_884] {strides = array<i32>} : memref<4x128xi32, #tpu.memory_space<vmem>>, vector<16xi32>,
    %shift_right_logical3A_886 = arith.constant 2 : i32
    %shift_right_logical3A_887 = vector.broadcast %shift_right_logical3A_886 : i32 to vector<16xi32>
    %shift_right_logical3A_888 = arith.shrui %get3A_885, %shift_right_logical3A_887 : vector<16xi32>
    %swap3A_889 = arith.index_cast %select_n3A_864 : i32 to index
    %swap3A_890 = arith.index_cast %mul3A_882 : i32 to index
    %swap3A_891 = tpu.vector_load %arg6[%swap3A_889, %swap3A_890] {strides = array<i32>} : memref<4x128xi32, #tpu.memory_space<vmem>>, vector<16xi32>,
    tpu.vector_store %arg6[%swap3A_889, %swap3A_890], %shift_right_logical3A_888 {strides = array<i32>} : memref<4x128xi32, #tpu.memory_space<vmem>>, vector<16xi32>,
    %scan3A_892 = arith.constant 0 : i32
    %scan3A_893 = arith.constant 17 : i32
    %jit3A_894 = arith.constant 8 : i32
    %div3A_895 = arith.divsi %scan3A_893, %jit3A_894 : i32
    %sign3A_896 = arith.constant 0 : i32
    %sign3A_897 = arith.cmpi sgt, %scan3A_893, %sign3A_896 : i32
    %sign3A_898 = arith.extui %sign3A_897 : i1 to i32
    %sign3A_899 = arith.constant 0 : i32
    %sign3A_900 = arith.cmpi slt, %scan3A_893, %sign3A_899 : i32
    %sign3A_901 = arith.extui %sign3A_900 : i1 to i32
    %sign3A_902 = arith.subi %sign3A_898, %sign3A_901 : i32
    %sign3A_903 = arith.constant 0 : i32
    %sign3A_904 = arith.cmpi sgt, %jit3A_894, %sign3A_903 : i32
    %sign3A_905 = arith.extui %sign3A_904 : i1 to i32
    %sign3A_906 = arith.constant 0 : i32
    %sign3A_907 = arith.cmpi slt, %jit3A_894, %sign3A_906 : i32
    %sign3A_908 = arith.extui %sign3A_907 : i1 to i32
    %sign3A_909 = arith.subi %sign3A_905, %sign3A_908 : i32
    %ne3A_910 = arith.cmpi ne, %sign3A_902, %sign3A_909 : i32
    %rem3A_911 = arith.remsi %scan3A_893, %jit3A_894 : i32
    %ne3A_912 = arith.constant 0 : i32
    %ne3A_913 = arith.cmpi ne, %rem3A_911, %ne3A_912 : i32
    %and3A_914 = arith.andi %ne3A_910, %ne3A_913 : i1
    %sub3A_915 = arith.constant 1 : i32
    %sub3A_916 = arith.subi %div3A_895, %sub3A_915 : i32
    %select_n3A_917 = arith.select %and3A_914, %sub3A_916, %div3A_895 : i32
    %jit3A_918 = arith.constant 8 : i32
    %eq3A_919 = arith.constant 0 : i32
    %eq3A_920 = arith.cmpi eq, %jit3A_918, %eq3A_919 : i32
    %jit3A_921 = arith.constant 1 : i32
    %select_n3A_922 = arith.select %eq3A_920, %jit3A_921, %jit3A_918 : i32
    %rem3A_923 = arith.remsi %scan3A_893, %select_n3A_922 : i32
    %ne3A_924 = arith.constant 0 : i32
    %ne3A_925 = arith.cmpi ne, %rem3A_923, %ne3A_924 : i32
    %lt3A_926 = arith.constant 0 : i32
    %lt3A_927 = arith.cmpi slt, %rem3A_923, %lt3A_926 : i32
    %lt3A_928 = arith.constant 0 : i32
    %lt3A_929 = arith.cmpi slt, %select_n3A_922, %lt3A_928 : i32
    %ne3A_930 = arith.xori %lt3A_927, %lt3A_929 : i1
    %and3A_931 = arith.andi %ne3A_930, %ne3A_925 : i1
    %add3A_932 = arith.addi %rem3A_923, %select_n3A_922 : i32
    %select_n3A_933 = arith.select %and3A_931, %add3A_932, %rem3A_923 : i32
    %mul3A_934 = arith.constant 16 : i32
    %mul3A_935 = arith.muli %select_n3A_933, %mul3A_934 : i32
    %get3A_936 = arith.index_cast %select_n3A_917 : i32 to index
    %get3A_937 = arith.index_cast %mul3A_935 : i32 to index
    %get3A_938 = tpu.vector_load %arg5[%get3A_936, %get3A_937] {strides = array<i32>} : memref<4x128xi32, #tpu.memory_space<vmem>>, vector<16xi32>,
    %shift_right_logical3A_939 = arith.constant 2 : i32
    %shift_right_logical3A_940 = vector.broadcast %shift_right_logical3A_939 : i32 to vector<16xi32>
    %shift_right_logical3A_941 = arith.shrui %get3A_938, %shift_right_logical3A_940 : vector<16xi32>
    %swap3A_942 = arith.index_cast %select_n3A_917 : i32 to index
    %swap3A_943 = arith.index_cast %mul3A_935 : i32 to index
    %swap3A_944 = tpu.vector_load %arg6[%swap3A_942, %swap3A_943] {strides = array<i32>} : memref<4x128xi32, #tpu.memory_space<vmem>>, vector<16xi32>,
    tpu.vector_store %arg6[%swap3A_942, %swap3A_943], %shift_right_logical3A_941 {strides = array<i32>} : memref<4x128xi32, #tpu.memory_space<vmem>>, vector<16xi32>,
    %scan3A_945 = arith.constant 0 : i32
    %scan3A_946 = arith.constant 18 : i32
    %jit3A_947 = arith.constant 8 : i32
    %div3A_948 = arith.divsi %scan3A_946, %jit3A_947 : i32
    %sign3A_949 = arith.constant 0 : i32
    %sign3A_950 = arith.cmpi sgt, %scan3A_946, %sign3A_949 : i32
    %sign3A_951 = arith.extui %sign3A_950 : i1 to i32
    %sign3A_952 = arith.constant 0 : i32
    %sign3A_953 = arith.cmpi slt, %scan3A_946, %sign3A_952 : i32
    %sign3A_954 = arith.extui %sign3A_953 : i1 to i32
    %sign3A_955 = arith.subi %sign3A_951, %sign3A_954 : i32
    %sign3A_956 = arith.constant 0 : i32
    %sign3A_957 = arith.cmpi sgt, %jit3A_947, %sign3A_956 : i32
    %sign3A_958 = arith.extui %sign3A_957 : i1 to i32
    %sign3A_959 = arith.constant 0 : i32
    %sign3A_960 = arith.cmpi slt, %jit3A_947, %sign3A_959 : i32
    %sign3A_961 = arith.extui %sign3A_960 : i1 to i32
    %sign3A_962 = arith.subi %sign3A_958, %sign3A_961 : i32
    %ne3A_963 = arith.cmpi ne, %sign3A_955, %sign3A_962 : i32
    %rem3A_964 = arith.remsi %scan3A_946, %jit3A_947 : i32
    %ne3A_965 = arith.constant 0 : i32
    %ne3A_966 = arith.cmpi ne, %rem3A_964, %ne3A_965 : i32
    %and3A_967 = arith.andi %ne3A_963, %ne3A_966 : i1
    %sub3A_968 = arith.constant 1 : i32
    %sub3A_969 = arith.subi %div3A_948, %sub3A_968 : i32
    %select_n3A_970 = arith.select %and3A_967, %sub3A_969, %div3A_948 : i32
    %jit3A_971 = arith.constant 8 : i32
    %eq3A_972 = arith.constant 0 : i32
    %eq3A_973 = arith.cmpi eq, %jit3A_971, %eq3A_972 : i32
    %jit3A_974 = arith.constant 1 : i32
    %select_n3A_975 = arith.select %eq3A_973, %jit3A_974, %jit3A_971 : i32
    %rem3A_976 = arith.remsi %scan3A_946, %select_n3A_975 : i32
    %ne3A_977 = arith.constant 0 : i32
    %ne3A_978 = arith.cmpi ne, %rem3A_976, %ne3A_977 : i32
    %lt3A_979 = arith.constant 0 : i32
    %lt3A_980 = arith.cmpi slt, %rem3A_976, %lt3A_979 : i32
    %lt3A_981 = arith.constant 0 : i32
    %lt3A_982 = arith.cmpi slt, %select_n3A_975, %lt3A_981 : i32
    %ne3A_983 = arith.xori %lt3A_980, %lt3A_982 : i1
    %and3A_984 = arith.andi %ne3A_983, %ne3A_978 : i1
    %add3A_985 = arith.addi %rem3A_976, %select_n3A_975 : i32
    %select_n3A_986 = arith.select %and3A_984, %add3A_985, %rem3A_976 : i32
    %mul3A_987 = arith.constant 16 : i32
    %mul3A_988 = arith.muli %select_n3A_986, %mul3A_987 : i32
    %get3A_989 = arith.index_cast %select_n3A_970 : i32 to index
    %get3A_990 = arith.index_cast %mul3A_988 : i32 to index
    %get3A_991 = tpu.vector_load %arg5[%get3A_989, %get3A_990] {strides = array<i32>} : memref<4x128xi32, #tpu.memory_space<vmem>>, vector<16xi32>,
    %shift_right_logical3A_992 = arith.constant 2 : i32
    %shift_right_logical3A_993 = vector.broadcast %shift_right_logical3A_992 : i32 to vector<16xi32>
    %shift_right_logical3A_994 = arith.shrui %get3A_991, %shift_right_logical3A_993 : vector<16xi32>
    %swap3A_995 = arith.index_cast %select_n3A_970 : i32 to index
    %swap3A_996 = arith.index_cast %mul3A_988 : i32 to index
    %swap3A_997 = tpu.vector_load %arg6[%swap3A_995, %swap3A_996] {strides = array<i32>} : memref<4x128xi32, #tpu.memory_space<vmem>>, vector<16xi32>,
    tpu.vector_store %arg6[%swap3A_995, %swap3A_996], %shift_right_logical3A_994 {strides = array<i32>} : memref<4x128xi32, #tpu.memory_space<vmem>>, vector<16xi32>,
    %scan3A_998 = arith.constant 0 : i32
    %scan3A_999 = arith.constant 19 : i32
    %jit3A_1000 = arith.constant 8 : i32
    %div3A_1001 = arith.divsi %scan3A_999, %jit3A_1000 : i32
    %sign3A_1002 = arith.constant 0 : i32
    %sign3A_1003 = arith.cmpi sgt, %scan3A_999, %sign3A_1002 : i32
    %sign3A_1004 = arith.extui %sign3A_1003 : i1 to i32
    %sign3A_1005 = arith.constant 0 : i32
    %sign3A_1006 = arith.cmpi slt, %scan3A_999, %sign3A_1005 : i32
    %sign3A_1007 = arith.extui %sign3A_1006 : i1 to i32
    %sign3A_1008 = arith.subi %sign3A_1004, %sign3A_1007 : i32
    %sign3A_1009 = arith.constant 0 : i32
    %sign3A_1010 = arith.cmpi sgt, %jit3A_1000, %sign3A_1009 : i32
    %sign3A_1011 = arith.extui %sign3A_1010 : i1 to i32
    %sign3A_1012 = arith.constant 0 : i32
    %sign3A_1013 = arith.cmpi slt, %jit3A_1000, %sign3A_1012 : i32
    %sign3A_1014 = arith.extui %sign3A_1013 : i1 to i32
    %sign3A_1015 = arith.subi %sign3A_1011, %sign3A_1014 : i32
    %ne3A_1016 = arith.cmpi ne, %sign3A_1008, %sign3A_1015 : i32
    %rem3A_1017 = arith.remsi %scan3A_999, %jit3A_1000 : i32
    %ne3A_1018 = arith.constant 0 : i32
    %ne3A_1019 = arith.cmpi ne, %rem3A_1017, %ne3A_1018 : i32
    %and3A_1020 = arith.andi %ne3A_1016, %ne3A_1019 : i1
    %sub3A_1021 = arith.constant 1 : i32
    %sub3A_1022 = arith.subi %div3A_1001, %sub3A_1021 : i32
    %select_n3A_1023 = arith.select %and3A_1020, %sub3A_1022, %div3A_1001 : i32
    %jit3A_1024 = arith.constant 8 : i32
    %eq3A_1025 = arith.constant 0 : i32
    %eq3A_1026 = arith.cmpi eq, %jit3A_1024, %eq3A_1025 : i32
    %jit3A_1027 = arith.constant 1 : i32
    %select_n3A_1028 = arith.select %eq3A_1026, %jit3A_1027, %jit3A_1024 : i32
    %rem3A_1029 = arith.remsi %scan3A_999, %select_n3A_1028 : i32
    %ne3A_1030 = arith.constant 0 : i32
    %ne3A_1031 = arith.cmpi ne, %rem3A_1029, %ne3A_1030 : i32
    %lt3A_1032 = arith.constant 0 : i32
    %lt3A_1033 = arith.cmpi slt, %rem3A_1029, %lt3A_1032 : i32
    %lt3A_1034 = arith.constant 0 : i32
    %lt3A_1035 = arith.cmpi slt, %select_n3A_1028, %lt3A_1034 : i32
    %ne3A_1036 = arith.xori %lt3A_1033, %lt3A_1035 : i1
    %and3A_1037 = arith.andi %ne3A_1036, %ne3A_1031 : i1
    %add3A_1038 = arith.addi %rem3A_1029, %select_n3A_1028 : i32
    %select_n3A_1039 = arith.select %and3A_1037, %add3A_1038, %rem3A_1029 : i32
    %mul3A_1040 = arith.constant 16 : i32
    %mul3A_1041 = arith.muli %select_n3A_1039, %mul3A_1040 : i32
    %get3A_1042 = arith.index_cast %select_n3A_1023 : i32 to index
    %get3A_1043 = arith.index_cast %mul3A_1041 : i32 to index
    %get3A_1044 = tpu.vector_load %arg5[%get3A_1042, %get3A_1043] {strides = array<i32>} : memref<4x128xi32, #tpu.memory_space<vmem>>, vector<16xi32>,
    %shift_right_logical3A_1045 = arith.constant 2 : i32
    %shift_right_logical3A_1046 = vector.broadcast %shift_right_logical3A_1045 : i32 to vector<16xi32>
    %shift_right_logical3A_1047 = arith.shrui %get3A_1044, %shift_right_logical3A_1046 : vector<16xi32>
    %swap3A_1048 = arith.index_cast %select_n3A_1023 : i32 to index
    %swap3A_1049 = arith.index_cast %mul3A_1041 : i32 to index
    %swap3A_1050 = tpu.vector_load %arg6[%swap3A_1048, %swap3A_1049] {strides = array<i32>} : memref<4x128xi32, #tpu.memory_space<vmem>>, vector<16xi32>,
    tpu.vector_store %arg6[%swap3A_1048, %swap3A_1049], %shift_right_logical3A_1047 {strides = array<i32>} : memref<4x128xi32, #tpu.memory_space<vmem>>, vector<16xi32>,
    %scan3A_1051 = arith.constant 0 : i32
    %scan3A_1052 = arith.constant 20 : i32
    %jit3A_1053 = arith.constant 8 : i32
    %div3A_1054 = arith.divsi %scan3A_1052, %jit3A_1053 : i32
    %sign3A_1055 = arith.constant 0 : i32
    %sign3A_1056 = arith.cmpi sgt, %scan3A_1052, %sign3A_1055 : i32
    %sign3A_1057 = arith.extui %sign3A_1056 : i1 to i32
    %sign3A_1058 = arith.constant 0 : i32
    %sign3A_1059 = arith.cmpi slt, %scan3A_1052, %sign3A_1058 : i32
    %sign3A_1060 = arith.extui %sign3A_1059 : i1 to i32
    %sign3A_1061 = arith.subi %sign3A_1057, %sign3A_1060 : i32
    %sign3A_1062 = arith.constant 0 : i32
    %sign3A_1063 = arith.cmpi sgt, %jit3A_1053, %sign3A_1062 : i32
    %sign3A_1064 = arith.extui %sign3A_1063 : i1 to i32
    %sign3A_1065 = arith.constant 0 : i32
    %sign3A_1066 = arith.cmpi slt, %jit3A_1053, %sign3A_1065 : i32
    %sign3A_1067 = arith.extui %sign3A_1066 : i1 to i32
    %sign3A_1068 = arith.subi %sign3A_1064, %sign3A_1067 : i32
    %ne3A_1069 = arith.cmpi ne, %sign3A_1061, %sign3A_1068 : i32
    %rem3A_1070 = arith.remsi %scan3A_1052, %jit3A_1053 : i32
    %ne3A_1071 = arith.constant 0 : i32
    %ne3A_1072 = arith.cmpi ne, %rem3A_1070, %ne3A_1071 : i32
    %and3A_1073 = arith.andi %ne3A_1069, %ne3A_1072 : i1
    %sub3A_1074 = arith.constant 1 : i32
    %sub3A_1075 = arith.subi %div3A_1054, %sub3A_1074 : i32
    %select_n3A_1076 = arith.select %and3A_1073, %sub3A_1075, %div3A_1054 : i32
    %jit3A_1077 = arith.constant 8 : i32
    %eq3A_1078 = arith.constant 0 : i32
    %eq3A_1079 = arith.cmpi eq, %jit3A_1077, %eq3A_1078 : i32
    %jit3A_1080 = arith.constant 1 : i32
    %select_n3A_1081 = arith.select %eq3A_1079, %jit3A_1080, %jit3A_1077 : i32
    %rem3A_1082 = arith.remsi %scan3A_1052, %select_n3A_1081 : i32
    %ne3A_1083 = arith.constant 0 : i32
    %ne3A_1084 = arith.cmpi ne, %rem3A_1082, %ne3A_1083 : i32
    %lt3A_1085 = arith.constant 0 : i32
    %lt3A_1086 = arith.cmpi slt, %rem3A_1082, %lt3A_1085 : i32
    %lt3A_1087 = arith.constant 0 : i32
    %lt3A_1088 = arith.cmpi slt, %select_n3A_1081, %lt3A_1087 : i32
    %ne3A_1089 = arith.xori %lt3A_1086, %lt3A_1088 : i1
    %and3A_1090 = arith.andi %ne3A_1089, %ne3A_1084 : i1
    %add3A_1091 = arith.addi %rem3A_1082, %select_n3A_1081 : i32
    %select_n3A_1092 = arith.select %and3A_1090, %add3A_1091, %rem3A_1082 : i32
    %mul3A_1093 = arith.constant 16 : i32
    %mul3A_1094 = arith.muli %select_n3A_1092, %mul3A_1093 : i32
    %get3A_1095 = arith.index_cast %select_n3A_1076 : i32 to index
    %get3A_1096 = arith.index_cast %mul3A_1094 : i32 to index
    %get3A_1097 = tpu.vector_load %arg5[%get3A_1095, %get3A_1096] {strides = array<i32>} : memref<4x128xi32, #tpu.memory_space<vmem>>, vector<16xi32>,
    %shift_right_logical3A_1098 = arith.constant 2 : i32
    %shift_right_logical3A_1099 = vector.broadcast %shift_right_logical3A_1098 : i32 to vector<16xi32>
    %shift_right_logical3A_1100 = arith.shrui %get3A_1097, %shift_right_logical3A_1099 : vector<16xi32>
    %swap3A_1101 = arith.index_cast %select_n3A_1076 : i32 to index
    %swap3A_1102 = arith.index_cast %mul3A_1094 : i32 to index
    %swap3A_1103 = tpu.vector_load %arg6[%swap3A_1101, %swap3A_1102] {strides = array<i32>} : memref<4x128xi32, #tpu.memory_space<vmem>>, vector<16xi32>,
    tpu.vector_store %arg6[%swap3A_1101, %swap3A_1102], %shift_right_logical3A_1100 {strides = array<i32>} : memref<4x128xi32, #tpu.memory_space<vmem>>, vector<16xi32>,
    %scan3A_1104 = arith.constant 0 : i32
    %scan3A_1105 = arith.constant 21 : i32
    %jit3A_1106 = arith.constant 8 : i32
    %div3A_1107 = arith.divsi %scan3A_1105, %jit3A_1106 : i32
    %sign3A_1108 = arith.constant 0 : i32
    %sign3A_1109 = arith.cmpi sgt, %scan3A_1105, %sign3A_1108 : i32
    %sign3A_1110 = arith.extui %sign3A_1109 : i1 to i32
    %sign3A_1111 = arith.constant 0 : i32
    %sign3A_1112 = arith.cmpi slt, %scan3A_1105, %sign3A_1111 : i32
    %sign3A_1113 = arith.extui %sign3A_1112 : i1 to i32
    %sign3A_1114 = arith.subi %sign3A_1110, %sign3A_1113 : i32
    %sign3A_1115 = arith.constant 0 : i32
    %sign3A_1116 = arith.cmpi sgt, %jit3A_1106, %sign3A_1115 : i32
    %sign3A_1117 = arith.extui %sign3A_1116 : i1 to i32
    %sign3A_1118 = arith.constant 0 : i32
    %sign3A_1119 = arith.cmpi slt, %jit3A_1106, %sign3A_1118 : i32
    %sign3A_1120 = arith.extui %sign3A_1119 : i1 to i32
    %sign3A_1121 = arith.subi %sign3A_1117, %sign3A_1120 : i32
    %ne3A_1122 = arith.cmpi ne, %sign3A_1114, %sign3A_1121 : i32
    %rem3A_1123 = arith.remsi %scan3A_1105, %jit3A_1106 : i32
    %ne3A_1124 = arith.constant 0 : i32
    %ne3A_1125 = arith.cmpi ne, %rem3A_1123, %ne3A_1124 : i32
    %and3A_1126 = arith.andi %ne3A_1122, %ne3A_1125 : i1
    %sub3A_1127 = arith.constant 1 : i32
    %sub3A_1128 = arith.subi %div3A_1107, %sub3A_1127 : i32
    %select_n3A_1129 = arith.select %and3A_1126, %sub3A_1128, %div3A_1107 : i32
    %jit3A_1130 = arith.constant 8 : i32
    %eq3A_1131 = arith.constant 0 : i32
    %eq3A_1132 = arith.cmpi eq, %jit3A_1130, %eq3A_1131 : i32
    %jit3A_1133 = arith.constant 1 : i32
    %select_n3A_1134 = arith.select %eq3A_1132, %jit3A_1133, %jit3A_1130 : i32
    %rem3A_1135 = arith.remsi %scan3A_1105, %select_n3A_1134 : i32
    %ne3A_1136 = arith.constant 0 : i32
    %ne3A_1137 = arith.cmpi ne, %rem3A_1135, %ne3A_1136 : i32
    %lt3A_1138 = arith.constant 0 : i32
    %lt3A_1139 = arith.cmpi slt, %rem3A_1135, %lt3A_1138 : i32
    %lt3A_1140 = arith.constant 0 : i32
    %lt3A_1141 = arith.cmpi slt, %select_n3A_1134, %lt3A_1140 : i32
    %ne3A_1142 = arith.xori %lt3A_1139, %lt3A_1141 : i1
    %and3A_1143 = arith.andi %ne3A_1142, %ne3A_1137 : i1
    %add3A_1144 = arith.addi %rem3A_1135, %select_n3A_1134 : i32
    %select_n3A_1145 = arith.select %and3A_1143, %add3A_1144, %rem3A_1135 : i32
    %mul3A_1146 = arith.constant 16 : i32
    %mul3A_1147 = arith.muli %select_n3A_1145, %mul3A_1146 : i32
    %get3A_1148 = arith.index_cast %select_n3A_1129 : i32 to index
    %get3A_1149 = arith.index_cast %mul3A_1147 : i32 to index
    %get3A_1150 = tpu.vector_load %arg5[%get3A_1148, %get3A_1149] {strides = array<i32>} : memref<4x128xi32, #tpu.memory_space<vmem>>, vector<16xi32>,
    %shift_right_logical3A_1151 = arith.constant 2 : i32
    %shift_right_logical3A_1152 = vector.broadcast %shift_right_logical3A_1151 : i32 to vector<16xi32>
    %shift_right_logical3A_1153 = arith.shrui %get3A_1150, %shift_right_logical3A_1152 : vector<16xi32>
    %swap3A_1154 = arith.index_cast %select_n3A_1129 : i32 to index
    %swap3A_1155 = arith.index_cast %mul3A_1147 : i32 to index
    %swap3A_1156 = tpu.vector_load %arg6[%swap3A_1154, %swap3A_1155] {strides = array<i32>} : memref<4x128xi32, #tpu.memory_space<vmem>>, vector<16xi32>,
    tpu.vector_store %arg6[%swap3A_1154, %swap3A_1155], %shift_right_logical3A_1153 {strides = array<i32>} : memref<4x128xi32, #tpu.memory_space<vmem>>, vector<16xi32>,
    %scan3A_1157 = arith.constant 0 : i32
    %scan3A_1158 = arith.constant 22 : i32
    %jit3A_1159 = arith.constant 8 : i32
    %div3A_1160 = arith.divsi %scan3A_1158, %jit3A_1159 : i32
    %sign3A_1161 = arith.constant 0 : i32
    %sign3A_1162 = arith.cmpi sgt, %scan3A_1158, %sign3A_1161 : i32
    %sign3A_1163 = arith.extui %sign3A_1162 : i1 to i32
    %sign3A_1164 = arith.constant 0 : i32
    %sign3A_1165 = arith.cmpi slt, %scan3A_1158, %sign3A_1164 : i32
    %sign3A_1166 = arith.extui %sign3A_1165 : i1 to i32
    %sign3A_1167 = arith.subi %sign3A_1163, %sign3A_1166 : i32
    %sign3A_1168 = arith.constant 0 : i32
    %sign3A_1169 = arith.cmpi sgt, %jit3A_1159, %sign3A_1168 : i32
    %sign3A_1170 = arith.extui %sign3A_1169 : i1 to i32
    %sign3A_1171 = arith.constant 0 : i32
    %sign3A_1172 = arith.cmpi slt, %jit3A_1159, %sign3A_1171 : i32
    %sign3A_1173 = arith.extui %sign3A_1172 : i1 to i32
    %sign3A_1174 = arith.subi %sign3A_1170, %sign3A_1173 : i32
    %ne3A_1175 = arith.cmpi ne, %sign3A_1167, %sign3A_1174 : i32
    %rem3A_1176 = arith.remsi %scan3A_1158, %jit3A_1159 : i32
    %ne3A_1177 = arith.constant 0 : i32
    %ne3A_1178 = arith.cmpi ne, %rem3A_1176, %ne3A_1177 : i32
    %and3A_1179 = arith.andi %ne3A_1175, %ne3A_1178 : i1
    %sub3A_1180 = arith.constant 1 : i32
    %sub3A_1181 = arith.subi %div3A_1160, %sub3A_1180 : i32
    %select_n3A_1182 = arith.select %and3A_1179, %sub3A_1181, %div3A_1160 : i32
    %jit3A_1183 = arith.constant 8 : i32
    %eq3A_1184 = arith.constant 0 : i32
    %eq3A_1185 = arith.cmpi eq, %jit3A_1183, %eq3A_1184 : i32
    %jit3A_1186 = arith.constant 1 : i32
    %select_n3A_1187 = arith.select %eq3A_1185, %jit3A_1186, %jit3A_1183 : i32
    %rem3A_1188 = arith.remsi %scan3A_1158, %select_n3A_1187 : i32
    %ne3A_1189 = arith.constant 0 : i32
    %ne3A_1190 = arith.cmpi ne, %rem3A_1188, %ne3A_1189 : i32
    %lt3A_1191 = arith.constant 0 : i32
    %lt3A_1192 = arith.cmpi slt, %rem3A_1188, %lt3A_1191 : i32
    %lt3A_1193 = arith.constant 0 : i32
    %lt3A_1194 = arith.cmpi slt, %select_n3A_1187, %lt3A_1193 : i32
    %ne3A_1195 = arith.xori %lt3A_1192, %lt3A_1194 : i1
    %and3A_1196 = arith.andi %ne3A_1195, %ne3A_1190 : i1
    %add3A_1197 = arith.addi %rem3A_1188, %select_n3A_1187 : i32
    %select_n3A_1198 = arith.select %and3A_1196, %add3A_1197, %rem3A_1188 : i32
    %mul3A_1199 = arith.constant 16 : i32
    %mul3A_1200 = arith.muli %select_n3A_1198, %mul3A_1199 : i32
    %get3A_1201 = arith.index_cast %select_n3A_1182 : i32 to index
    %get3A_1202 = arith.index_cast %mul3A_1200 : i32 to index
    %get3A_1203 = tpu.vector_load %arg5[%get3A_1201, %get3A_1202] {strides = array<i32>} : memref<4x128xi32, #tpu.memory_space<vmem>>, vector<16xi32>,
    %shift_right_logical3A_1204 = arith.constant 2 : i32
    %shift_right_logical3A_1205 = vector.broadcast %shift_right_logical3A_1204 : i32 to vector<16xi32>
    %shift_right_logical3A_1206 = arith.shrui %get3A_1203, %shift_right_logical3A_1205 : vector<16xi32>
    %swap3A_1207 = arith.index_cast %select_n3A_1182 : i32 to index
    %swap3A_1208 = arith.index_cast %mul3A_1200 : i32 to index
    %swap3A_1209 = tpu.vector_load %arg6[%swap3A_1207, %swap3A_1208] {strides = array<i32>} : memref<4x128xi32, #tpu.memory_space<vmem>>, vector<16xi32>,
    tpu.vector_store %arg6[%swap3A_1207, %swap3A_1208], %shift_right_logical3A_1206 {strides = array<i32>} : memref<4x128xi32, #tpu.memory_space<vmem>>, vector<16xi32>,
    %scan3A_1210 = arith.constant 0 : i32
    %scan3A_1211 = arith.constant 23 : i32
    %jit3A_1212 = arith.constant 8 : i32
    %div3A_1213 = arith.divsi %scan3A_1211, %jit3A_1212 : i32
    %sign3A_1214 = arith.constant 0 : i32
    %sign3A_1215 = arith.cmpi sgt, %scan3A_1211, %sign3A_1214 : i32
    %sign3A_1216 = arith.extui %sign3A_1215 : i1 to i32
    %sign3A_1217 = arith.constant 0 : i32
    %sign3A_1218 = arith.cmpi slt, %scan3A_1211, %sign3A_1217 : i32
    %sign3A_1219 = arith.extui %sign3A_1218 : i1 to i32
    %sign3A_1220 = arith.subi %sign3A_1216, %sign3A_1219 : i32
    %sign3A_1221 = arith.constant 0 : i32
    %sign3A_1222 = arith.cmpi sgt, %jit3A_1212, %sign3A_1221 : i32
    %sign3A_1223 = arith.extui %sign3A_1222 : i1 to i32
    %sign3A_1224 = arith.constant 0 : i32
    %sign3A_1225 = arith.cmpi slt, %jit3A_1212, %sign3A_1224 : i32
    %sign3A_1226 = arith.extui %sign3A_1225 : i1 to i32
    %sign3A_1227 = arith.subi %sign3A_1223, %sign3A_1226 : i32
    %ne3A_1228 = arith.cmpi ne, %sign3A_1220, %sign3A_1227 : i32
    %rem3A_1229 = arith.remsi %scan3A_1211, %jit3A_1212 : i32
    %ne3A_1230 = arith.constant 0 : i32
    %ne3A_1231 = arith.cmpi ne, %rem3A_1229, %ne3A_1230 : i32
    %and3A_1232 = arith.andi %ne3A_1228, %ne3A_1231 : i1
    %sub3A_1233 = arith.constant 1 : i32
    %sub3A_1234 = arith.subi %div3A_1213, %sub3A_1233 : i32
    %select_n3A_1235 = arith.select %and3A_1232, %sub3A_1234, %div3A_1213 : i32
    %jit3A_1236 = arith.constant 8 : i32
    %eq3A_1237 = arith.constant 0 : i32
    %eq3A_1238 = arith.cmpi eq, %jit3A_1236, %eq3A_1237 : i32
    %jit3A_1239 = arith.constant 1 : i32
    %select_n3A_1240 = arith.select %eq3A_1238, %jit3A_1239, %jit3A_1236 : i32
    %rem3A_1241 = arith.remsi %scan3A_1211, %select_n3A_1240 : i32
    %ne3A_1242 = arith.constant 0 : i32
    %ne3A_1243 = arith.cmpi ne, %rem3A_1241, %ne3A_1242 : i32
    %lt3A_1244 = arith.constant 0 : i32
    %lt3A_1245 = arith.cmpi slt, %rem3A_1241, %lt3A_1244 : i32
    %lt3A_1246 = arith.constant 0 : i32
    %lt3A_1247 = arith.cmpi slt, %select_n3A_1240, %lt3A_1246 : i32
    %ne3A_1248 = arith.xori %lt3A_1245, %lt3A_1247 : i1
    %and3A_1249 = arith.andi %ne3A_1248, %ne3A_1243 : i1
    %add3A_1250 = arith.addi %rem3A_1241, %select_n3A_1240 : i32
    %select_n3A_1251 = arith.select %and3A_1249, %add3A_1250, %rem3A_1241 : i32
    %mul3A_1252 = arith.constant 16 : i32
    %mul3A_1253 = arith.muli %select_n3A_1251, %mul3A_1252 : i32
    %get3A_1254 = arith.index_cast %select_n3A_1235 : i32 to index
    %get3A_1255 = arith.index_cast %mul3A_1253 : i32 to index
    %get3A_1256 = tpu.vector_load %arg5[%get3A_1254, %get3A_1255] {strides = array<i32>} : memref<4x128xi32, #tpu.memory_space<vmem>>, vector<16xi32>,
    %shift_right_logical3A_1257 = arith.constant 2 : i32
    %shift_right_logical3A_1258 = vector.broadcast %shift_right_logical3A_1257 : i32 to vector<16xi32>
    %shift_right_logical3A_1259 = arith.shrui %get3A_1256, %shift_right_logical3A_1258 : vector<16xi32>
    %swap3A_1260 = arith.index_cast %select_n3A_1235 : i32 to index
    %swap3A_1261 = arith.index_cast %mul3A_1253 : i32 to index
    %swap3A_1262 = tpu.vector_load %arg6[%swap3A_1260, %swap3A_1261] {strides = array<i32>} : memref<4x128xi32, #tpu.memory_space<vmem>>, vector<16xi32>,
    tpu.vector_store %arg6[%swap3A_1260, %swap3A_1261], %shift_right_logical3A_1259 {strides = array<i32>} : memref<4x128xi32, #tpu.memory_space<vmem>>, vector<16xi32>,
    %scan3A_1263 = arith.constant 0 : i32
    %scan3A_1264 = arith.constant 24 : i32
    %jit3A_1265 = arith.constant 8 : i32
    %div3A_1266 = arith.divsi %scan3A_1264, %jit3A_1265 : i32
    %sign3A_1267 = arith.constant 0 : i32
    %sign3A_1268 = arith.cmpi sgt, %scan3A_1264, %sign3A_1267 : i32
    %sign3A_1269 = arith.extui %sign3A_1268 : i1 to i32
    %sign3A_1270 = arith.constant 0 : i32
    %sign3A_1271 = arith.cmpi slt, %scan3A_1264, %sign3A_1270 : i32
    %sign3A_1272 = arith.extui %sign3A_1271 : i1 to i32
    %sign3A_1273 = arith.subi %sign3A_1269, %sign3A_1272 : i32
    %sign3A_1274 = arith.constant 0 : i32
    %sign3A_1275 = arith.cmpi sgt, %jit3A_1265, %sign3A_1274 : i32
    %sign3A_1276 = arith.extui %sign3A_1275 : i1 to i32
    %sign3A_1277 = arith.constant 0 : i32
    %sign3A_1278 = arith.cmpi slt, %jit3A_1265, %sign3A_1277 : i32
    %sign3A_1279 = arith.extui %sign3A_1278 : i1 to i32
    %sign3A_1280 = arith.subi %sign3A_1276, %sign3A_1279 : i32
    %ne3A_1281 = arith.cmpi ne, %sign3A_1273, %sign3A_1280 : i32
    %rem3A_1282 = arith.remsi %scan3A_1264, %jit3A_1265 : i32
    %ne3A_1283 = arith.constant 0 : i32
    %ne3A_1284 = arith.cmpi ne, %rem3A_1282, %ne3A_1283 : i32
    %and3A_1285 = arith.andi %ne3A_1281, %ne3A_1284 : i1
    %sub3A_1286 = arith.constant 1 : i32
    %sub3A_1287 = arith.subi %div3A_1266, %sub3A_1286 : i32
    %select_n3A_1288 = arith.select %and3A_1285, %sub3A_1287, %div3A_1266 : i32
    %jit3A_1289 = arith.constant 8 : i32
    %eq3A_1290 = arith.constant 0 : i32
    %eq3A_1291 = arith.cmpi eq, %jit3A_1289, %eq3A_1290 : i32
    %jit3A_1292 = arith.constant 1 : i32
    %select_n3A_1293 = arith.select %eq3A_1291, %jit3A_1292, %jit3A_1289 : i32
    %rem3A_1294 = arith.remsi %scan3A_1264, %select_n3A_1293 : i32
    %ne3A_1295 = arith.constant 0 : i32
    %ne3A_1296 = arith.cmpi ne, %rem3A_1294, %ne3A_1295 : i32
    %lt3A_1297 = arith.constant 0 : i32
    %lt3A_1298 = arith.cmpi slt, %rem3A_1294, %lt3A_1297 : i32
    %lt3A_1299 = arith.constant 0 : i32
    %lt3A_1300 = arith.cmpi slt, %select_n3A_1293, %lt3A_1299 : i32
    %ne3A_1301 = arith.xori %lt3A_1298, %lt3A_1300 : i1
    %and3A_1302 = arith.andi %ne3A_1301, %ne3A_1296 : i1
    %add3A_1303 = arith.addi %rem3A_1294, %select_n3A_1293 : i32
    %select_n3A_1304 = arith.select %and3A_1302, %add3A_1303, %rem3A_1294 : i32
    %mul3A_1305 = arith.constant 16 : i32
    %mul3A_1306 = arith.muli %select_n3A_1304, %mul3A_1305 : i32
    %get3A_1307 = arith.index_cast %select_n3A_1288 : i32 to index
    %get3A_1308 = arith.index_cast %mul3A_1306 : i32 to index
    %get3A_1309 = tpu.vector_load %arg5[%get3A_1307, %get3A_1308] {strides = array<i32>} : memref<4x128xi32, #tpu.memory_space<vmem>>, vector<16xi32>,
    %shift_right_logical3A_1310 = arith.constant 2 : i32
    %shift_right_logical3A_1311 = vector.broadcast %shift_right_logical3A_1310 : i32 to vector<16xi32>
    %shift_right_logical3A_1312 = arith.shrui %get3A_1309, %shift_right_logical3A_1311 : vector<16xi32>
    %swap3A_1313 = arith.index_cast %select_n3A_1288 : i32 to index
    %swap3A_1314 = arith.index_cast %mul3A_1306 : i32 to index
    %swap3A_1315 = tpu.vector_load %arg6[%swap3A_1313, %swap3A_1314] {strides = array<i32>} : memref<4x128xi32, #tpu.memory_space<vmem>>, vector<16xi32>,
    tpu.vector_store %arg6[%swap3A_1313, %swap3A_1314], %shift_right_logical3A_1312 {strides = array<i32>} : memref<4x128xi32, #tpu.memory_space<vmem>>, vector<16xi32>,
    %scan3A_1316 = arith.constant 0 : i32
    %scan3A_1317 = arith.constant 25 : i32
    %jit3A_1318 = arith.constant 8 : i32
    %div3A_1319 = arith.divsi %scan3A_1317, %jit3A_1318 : i32
    %sign3A_1320 = arith.constant 0 : i32
    %sign3A_1321 = arith.cmpi sgt, %scan3A_1317, %sign3A_1320 : i32
    %sign3A_1322 = arith.extui %sign3A_1321 : i1 to i32
    %sign3A_1323 = arith.constant 0 : i32
    %sign3A_1324 = arith.cmpi slt, %scan3A_1317, %sign3A_1323 : i32
    %sign3A_1325 = arith.extui %sign3A_1324 : i1 to i32
    %sign3A_1326 = arith.subi %sign3A_1322, %sign3A_1325 : i32
    %sign3A_1327 = arith.constant 0 : i32
    %sign3A_1328 = arith.cmpi sgt, %jit3A_1318, %sign3A_1327 : i32
    %sign3A_1329 = arith.extui %sign3A_1328 : i1 to i32
    %sign3A_1330 = arith.constant 0 : i32
    %sign3A_1331 = arith.cmpi slt, %jit3A_1318, %sign3A_1330 : i32
    %sign3A_1332 = arith.extui %sign3A_1331 : i1 to i32
    %sign3A_1333 = arith.subi %sign3A_1329, %sign3A_1332 : i32
    %ne3A_1334 = arith.cmpi ne, %sign3A_1326, %sign3A_1333 : i32
    %rem3A_1335 = arith.remsi %scan3A_1317, %jit3A_1318 : i32
    %ne3A_1336 = arith.constant 0 : i32
    %ne3A_1337 = arith.cmpi ne, %rem3A_1335, %ne3A_1336 : i32
    %and3A_1338 = arith.andi %ne3A_1334, %ne3A_1337 : i1
    %sub3A_1339 = arith.constant 1 : i32
    %sub3A_1340 = arith.subi %div3A_1319, %sub3A_1339 : i32
    %select_n3A_1341 = arith.select %and3A_1338, %sub3A_1340, %div3A_1319 : i32
    %jit3A_1342 = arith.constant 8 : i32
    %eq3A_1343 = arith.constant 0 : i32
    %eq3A_1344 = arith.cmpi eq, %jit3A_1342, %eq3A_1343 : i32
    %jit3A_1345 = arith.constant 1 : i32
    %select_n3A_1346 = arith.select %eq3A_1344, %jit3A_1345, %jit3A_1342 : i32
    %rem3A_1347 = arith.remsi %scan3A_1317, %select_n3A_1346 : i32
    %ne3A_1348 = arith.constant 0 : i32
    %ne3A_1349 = arith.cmpi ne, %rem3A_1347, %ne3A_1348 : i32
    %lt3A_1350 = arith.constant 0 : i32
    %lt3A_1351 = arith.cmpi slt, %rem3A_1347, %lt3A_1350 : i32
    %lt3A_1352 = arith.constant 0 : i32
    %lt3A_1353 = arith.cmpi slt, %select_n3A_1346, %lt3A_1352 : i32
    %ne3A_1354 = arith.xori %lt3A_1351, %lt3A_1353 : i1
    %and3A_1355 = arith.andi %ne3A_1354, %ne3A_1349 : i1
    %add3A_1356 = arith.addi %rem3A_1347, %select_n3A_1346 : i32
    %select_n3A_1357 = arith.select %and3A_1355, %add3A_1356, %rem3A_1347 : i32
    %mul3A_1358 = arith.constant 16 : i32
    %mul3A_1359 = arith.muli %select_n3A_1357, %mul3A_1358 : i32
    %get3A_1360 = arith.index_cast %select_n3A_1341 : i32 to index
    %get3A_1361 = arith.index_cast %mul3A_1359 : i32 to index
    %get3A_1362 = tpu.vector_load %arg5[%get3A_1360, %get3A_1361] {strides = array<i32>} : memref<4x128xi32, #tpu.memory_space<vmem>>, vector<16xi32>,
    %shift_right_logical3A_1363 = arith.constant 2 : i32
    %shift_right_logical3A_1364 = vector.broadcast %shift_right_logical3A_1363 : i32 to vector<16xi32>
    %shift_right_logical3A_1365 = arith.shrui %get3A_1362, %shift_right_logical3A_1364 : vector<16xi32>
    %swap3A_1366 = arith.index_cast %select_n3A_1341 : i32 to index
    %swap3A_1367 = arith.index_cast %mul3A_1359 : i32 to index
    %swap3A_1368 = tpu.vector_load %arg6[%swap3A_1366, %swap3A_1367] {strides = array<i32>} : memref<4x128xi32, #tpu.memory_space<vmem>>, vector<16xi32>,
    tpu.vector_store %arg6[%swap3A_1366, %swap3A_1367], %shift_right_logical3A_1365 {strides = array<i32>} : memref<4x128xi32, #tpu.memory_space<vmem>>, vector<16xi32>,
    %scan3A_1369 = arith.constant 0 : i32
    %scan3A_1370 = arith.constant 26 : i32
    %jit3A_1371 = arith.constant 8 : i32
    %div3A_1372 = arith.divsi %scan3A_1370, %jit3A_1371 : i32
    %sign3A_1373 = arith.constant 0 : i32
    %sign3A_1374 = arith.cmpi sgt, %scan3A_1370, %sign3A_1373 : i32
    %sign3A_1375 = arith.extui %sign3A_1374 : i1 to i32
    %sign3A_1376 = arith.constant 0 : i32
    %sign3A_1377 = arith.cmpi slt, %scan3A_1370, %sign3A_1376 : i32
    %sign3A_1378 = arith.extui %sign3A_1377 : i1 to i32
    %sign3A_1379 = arith.subi %sign3A_1375, %sign3A_1378 : i32
    %sign3A_1380 = arith.constant 0 : i32
    %sign3A_1381 = arith.cmpi sgt, %jit3A_1371, %sign3A_1380 : i32
    %sign3A_1382 = arith.extui %sign3A_1381 : i1 to i32
    %sign3A_1383 = arith.constant 0 : i32
    %sign3A_1384 = arith.cmpi slt, %jit3A_1371, %sign3A_1383 : i32
    %sign3A_1385 = arith.extui %sign3A_1384 : i1 to i32
    %sign3A_1386 = arith.subi %sign3A_1382, %sign3A_1385 : i32
    %ne3A_1387 = arith.cmpi ne, %sign3A_1379, %sign3A_1386 : i32
    %rem3A_1388 = arith.remsi %scan3A_1370, %jit3A_1371 : i32
    %ne3A_1389 = arith.constant 0 : i32
    %ne3A_1390 = arith.cmpi ne, %rem3A_1388, %ne3A_1389 : i32
    %and3A_1391 = arith.andi %ne3A_1387, %ne3A_1390 : i1
    %sub3A_1392 = arith.constant 1 : i32
    %sub3A_1393 = arith.subi %div3A_1372, %sub3A_1392 : i32
    %select_n3A_1394 = arith.select %and3A_1391, %sub3A_1393, %div3A_1372 : i32
    %jit3A_1395 = arith.constant 8 : i32
    %eq3A_1396 = arith.constant 0 : i32
    %eq3A_1397 = arith.cmpi eq, %jit3A_1395, %eq3A_1396 : i32
    %jit3A_1398 = arith.constant 1 : i32
    %select_n3A_1399 = arith.select %eq3A_1397, %jit3A_1398, %jit3A_1395 : i32
    %rem3A_1400 = arith.remsi %scan3A_1370, %select_n3A_1399 : i32
    %ne3A_1401 = arith.constant 0 : i32
    %ne3A_1402 = arith.cmpi ne, %rem3A_1400, %ne3A_1401 : i32
    %lt3A_1403 = arith.constant 0 : i32
    %lt3A_1404 = arith.cmpi slt, %rem3A_1400, %lt3A_1403 : i32
    %lt3A_1405 = arith.constant 0 : i32
    %lt3A_1406 = arith.cmpi slt, %select_n3A_1399, %lt3A_1405 : i32
    %ne3A_1407 = arith.xori %lt3A_1404, %lt3A_1406 : i1
    %and3A_1408 = arith.andi %ne3A_1407, %ne3A_1402 : i1
    %add3A_1409 = arith.addi %rem3A_1400, %select_n3A_1399 : i32
    %select_n3A_1410 = arith.select %and3A_1408, %add3A_1409, %rem3A_1400 : i32
    %mul3A_1411 = arith.constant 16 : i32
    %mul3A_1412 = arith.muli %select_n3A_1410, %mul3A_1411 : i32
    %get3A_1413 = arith.index_cast %select_n3A_1394 : i32 to index
    %get3A_1414 = arith.index_cast %mul3A_1412 : i32 to index
    %get3A_1415 = tpu.vector_load %arg5[%get3A_1413, %get3A_1414] {strides = array<i32>} : memref<4x128xi32, #tpu.memory_space<vmem>>, vector<16xi32>,
    %shift_right_logical3A_1416 = arith.constant 2 : i32
    %shift_right_logical3A_1417 = vector.broadcast %shift_right_logical3A_1416 : i32 to vector<16xi32>
    %shift_right_logical3A_1418 = arith.shrui %get3A_1415, %shift_right_logical3A_1417 : vector<16xi32>
    %swap3A_1419 = arith.index_cast %select_n3A_1394 : i32 to index
    %swap3A_1420 = arith.index_cast %mul3A_1412 : i32 to index
    %swap3A_1421 = tpu.vector_load %arg6[%swap3A_1419, %swap3A_1420] {strides = array<i32>} : memref<4x128xi32, #tpu.memory_space<vmem>>, vector<16xi32>,
    tpu.vector_store %arg6[%swap3A_1419, %swap3A_1420], %shift_right_logical3A_1418 {strides = array<i32>} : memref<4x128xi32, #tpu.memory_space<vmem>>, vector<16xi32>,
    %scan3A_1422 = arith.constant 0 : i32
    %scan3A_1423 = arith.constant 27 : i32
    %jit3A_1424 = arith.constant 8 : i32
    %div3A_1425 = arith.divsi %scan3A_1423, %jit3A_1424 : i32
    %sign3A_1426 = arith.constant 0 : i32
    %sign3A_1427 = arith.cmpi sgt, %scan3A_1423, %sign3A_1426 : i32
    %sign3A_1428 = arith.extui %sign3A_1427 : i1 to i32
    %sign3A_1429 = arith.constant 0 : i32
    %sign3A_1430 = arith.cmpi slt, %scan3A_1423, %sign3A_1429 : i32
    %sign3A_1431 = arith.extui %sign3A_1430 : i1 to i32
    %sign3A_1432 = arith.subi %sign3A_1428, %sign3A_1431 : i32
    %sign3A_1433 = arith.constant 0 : i32
    %sign3A_1434 = arith.cmpi sgt, %jit3A_1424, %sign3A_1433 : i32
    %sign3A_1435 = arith.extui %sign3A_1434 : i1 to i32
    %sign3A_1436 = arith.constant 0 : i32
    %sign3A_1437 = arith.cmpi slt, %jit3A_1424, %sign3A_1436 : i32
    %sign3A_1438 = arith.extui %sign3A_1437 : i1 to i32
    %sign3A_1439 = arith.subi %sign3A_1435, %sign3A_1438 : i32
    %ne3A_1440 = arith.cmpi ne, %sign3A_1432, %sign3A_1439 : i32
    %rem3A_1441 = arith.remsi %scan3A_1423, %jit3A_1424 : i32
    %ne3A_1442 = arith.constant 0 : i32
    %ne3A_1443 = arith.cmpi ne, %rem3A_1441, %ne3A_1442 : i32
    %and3A_1444 = arith.andi %ne3A_1440, %ne3A_1443 : i1
    %sub3A_1445 = arith.constant 1 : i32
    %sub3A_1446 = arith.subi %div3A_1425, %sub3A_1445 : i32
    %select_n3A_1447 = arith.select %and3A_1444, %sub3A_1446, %div3A_1425 : i32
    %jit3A_1448 = arith.constant 8 : i32
    %eq3A_1449 = arith.constant 0 : i32
    %eq3A_1450 = arith.cmpi eq, %jit3A_1448, %eq3A_1449 : i32
    %jit3A_1451 = arith.constant 1 : i32
    %select_n3A_1452 = arith.select %eq3A_1450, %jit3A_1451, %jit3A_1448 : i32
    %rem3A_1453 = arith.remsi %scan3A_1423, %select_n3A_1452 : i32
    %ne3A_1454 = arith.constant 0 : i32
    %ne3A_1455 = arith.cmpi ne, %rem3A_1453, %ne3A_1454 : i32
    %lt3A_1456 = arith.constant 0 : i32
    %lt3A_1457 = arith.cmpi slt, %rem3A_1453, %lt3A_1456 : i32
    %lt3A_1458 = arith.constant 0 : i32
    %lt3A_1459 = arith.cmpi slt, %select_n3A_1452, %lt3A_1458 : i32
    %ne3A_1460 = arith.xori %lt3A_1457, %lt3A_1459 : i1
    %and3A_1461 = arith.andi %ne3A_1460, %ne3A_1455 : i1
    %add3A_1462 = arith.addi %rem3A_1453, %select_n3A_1452 : i32
    %select_n3A_1463 = arith.select %and3A_1461, %add3A_1462, %rem3A_1453 : i32
    %mul3A_1464 = arith.constant 16 : i32
    %mul3A_1465 = arith.muli %select_n3A_1463, %mul3A_1464 : i32
    %get3A_1466 = arith.index_cast %select_n3A_1447 : i32 to index
    %get3A_1467 = arith.index_cast %mul3A_1465 : i32 to index
    %get3A_1468 = tpu.vector_load %arg5[%get3A_1466, %get3A_1467] {strides = array<i32>} : memref<4x128xi32, #tpu.memory_space<vmem>>, vector<16xi32>,
    %shift_right_logical3A_1469 = arith.constant 2 : i32
    %shift_right_logical3A_1470 = vector.broadcast %shift_right_logical3A_1469 : i32 to vector<16xi32>
    %shift_right_logical3A_1471 = arith.shrui %get3A_1468, %shift_right_logical3A_1470 : vector<16xi32>
    %swap3A_1472 = arith.index_cast %select_n3A_1447 : i32 to index
    %swap3A_1473 = arith.index_cast %mul3A_1465 : i32 to index
    %swap3A_1474 = tpu.vector_load %arg6[%swap3A_1472, %swap3A_1473] {strides = array<i32>} : memref<4x128xi32, #tpu.memory_space<vmem>>, vector<16xi32>,
    tpu.vector_store %arg6[%swap3A_1472, %swap3A_1473], %shift_right_logical3A_1471 {strides = array<i32>} : memref<4x128xi32, #tpu.memory_space<vmem>>, vector<16xi32>,
    %scan3A_1475 = arith.constant 0 : i32
    %scan3A_1476 = arith.constant 28 : i32
    %jit3A_1477 = arith.constant 8 : i32
    %div3A_1478 = arith.divsi %scan3A_1476, %jit3A_1477 : i32
    %sign3A_1479 = arith.constant 0 : i32
    %sign3A_1480 = arith.cmpi sgt, %scan3A_1476, %sign3A_1479 : i32
    %sign3A_1481 = arith.extui %sign3A_1480 : i1 to i32
    %sign3A_1482 = arith.constant 0 : i32
    %sign3A_1483 = arith.cmpi slt, %scan3A_1476, %sign3A_1482 : i32
    %sign3A_1484 = arith.extui %sign3A_1483 : i1 to i32
    %sign3A_1485 = arith.subi %sign3A_1481, %sign3A_1484 : i32
    %sign3A_1486 = arith.constant 0 : i32
    %sign3A_1487 = arith.cmpi sgt, %jit3A_1477, %sign3A_1486 : i32
    %sign3A_1488 = arith.extui %sign3A_1487 : i1 to i32
    %sign3A_1489 = arith.constant 0 : i32
    %sign3A_1490 = arith.cmpi slt, %jit3A_1477, %sign3A_1489 : i32
    %sign3A_1491 = arith.extui %sign3A_1490 : i1 to i32
    %sign3A_1492 = arith.subi %sign3A_1488, %sign3A_1491 : i32
    %ne3A_1493 = arith.cmpi ne, %sign3A_1485, %sign3A_1492 : i32
    %rem3A_1494 = arith.remsi %scan3A_1476, %jit3A_1477 : i32
    %ne3A_1495 = arith.constant 0 : i32
    %ne3A_1496 = arith.cmpi ne, %rem3A_1494, %ne3A_1495 : i32
    %and3A_1497 = arith.andi %ne3A_1493, %ne3A_1496 : i1
    %sub3A_1498 = arith.constant 1 : i32
    %sub3A_1499 = arith.subi %div3A_1478, %sub3A_1498 : i32
    %select_n3A_1500 = arith.select %and3A_1497, %sub3A_1499, %div3A_1478 : i32
    %jit3A_1501 = arith.constant 8 : i32
    %eq3A_1502 = arith.constant 0 : i32
    %eq3A_1503 = arith.cmpi eq, %jit3A_1501, %eq3A_1502 : i32
    %jit3A_1504 = arith.constant 1 : i32
    %select_n3A_1505 = arith.select %eq3A_1503, %jit3A_1504, %jit3A_1501 : i32
    %rem3A_1506 = arith.remsi %scan3A_1476, %select_n3A_1505 : i32
    %ne3A_1507 = arith.constant 0 : i32
    %ne3A_1508 = arith.cmpi ne, %rem3A_1506, %ne3A_1507 : i32
    %lt3A_1509 = arith.constant 0 : i32
    %lt3A_1510 = arith.cmpi slt, %rem3A_1506, %lt3A_1509 : i32
    %lt3A_1511 = arith.constant 0 : i32
    %lt3A_1512 = arith.cmpi slt, %select_n3A_1505, %lt3A_1511 : i32
    %ne3A_1513 = arith.xori %lt3A_1510, %lt3A_1512 : i1
    %and3A_1514 = arith.andi %ne3A_1513, %ne3A_1508 : i1
    %add3A_1515 = arith.addi %rem3A_1506, %select_n3A_1505 : i32
    %select_n3A_1516 = arith.select %and3A_1514, %add3A_1515, %rem3A_1506 : i32
    %mul3A_1517 = arith.constant 16 : i32
    %mul3A_1518 = arith.muli %select_n3A_1516, %mul3A_1517 : i32
    %get3A_1519 = arith.index_cast %select_n3A_1500 : i32 to index
    %get3A_1520 = arith.index_cast %mul3A_1518 : i32 to index
    %get3A_1521 = tpu.vector_load %arg5[%get3A_1519, %get3A_1520] {strides = array<i32>} : memref<4x128xi32, #tpu.memory_space<vmem>>, vector<16xi32>,
    %shift_right_logical3A_1522 = arith.constant 2 : i32
    %shift_right_logical3A_1523 = vector.broadcast %shift_right_logical3A_1522 : i32 to vector<16xi32>
    %shift_right_logical3A_1524 = arith.shrui %get3A_1521, %shift_right_logical3A_1523 : vector<16xi32>
    %swap3A_1525 = arith.index_cast %select_n3A_1500 : i32 to index
    %swap3A_1526 = arith.index_cast %mul3A_1518 : i32 to index
    %swap3A_1527 = tpu.vector_load %arg6[%swap3A_1525, %swap3A_1526] {strides = array<i32>} : memref<4x128xi32, #tpu.memory_space<vmem>>, vector<16xi32>,
    tpu.vector_store %arg6[%swap3A_1525, %swap3A_1526], %shift_right_logical3A_1524 {strides = array<i32>} : memref<4x128xi32, #tpu.memory_space<vmem>>, vector<16xi32>,
    %scan3A_1528 = arith.constant 0 : i32
    %scan3A_1529 = arith.constant 29 : i32
    %jit3A_1530 = arith.constant 8 : i32
    %div3A_1531 = arith.divsi %scan3A_1529, %jit3A_1530 : i32
    %sign3A_1532 = arith.constant 0 : i32
    %sign3A_1533 = arith.cmpi sgt, %scan3A_1529, %sign3A_1532 : i32
    %sign3A_1534 = arith.extui %sign3A_1533 : i1 to i32
    %sign3A_1535 = arith.constant 0 : i32
    %sign3A_1536 = arith.cmpi slt, %scan3A_1529, %sign3A_1535 : i32
    %sign3A_1537 = arith.extui %sign3A_1536 : i1 to i32
    %sign3A_1538 = arith.subi %sign3A_1534, %sign3A_1537 : i32
    %sign3A_1539 = arith.constant 0 : i32
    %sign3A_1540 = arith.cmpi sgt, %jit3A_1530, %sign3A_1539 : i32
    %sign3A_1541 = arith.extui %sign3A_1540 : i1 to i32
    %sign3A_1542 = arith.constant 0 : i32
    %sign3A_1543 = arith.cmpi slt, %jit3A_1530, %sign3A_1542 : i32
    %sign3A_1544 = arith.extui %sign3A_1543 : i1 to i32
    %sign3A_1545 = arith.subi %sign3A_1541, %sign3A_1544 : i32
    %ne3A_1546 = arith.cmpi ne, %sign3A_1538, %sign3A_1545 : i32
    %rem3A_1547 = arith.remsi %scan3A_1529, %jit3A_1530 : i32
    %ne3A_1548 = arith.constant 0 : i32
    %ne3A_1549 = arith.cmpi ne, %rem3A_1547, %ne3A_1548 : i32
    %and3A_1550 = arith.andi %ne3A_1546, %ne3A_1549 : i1
    %sub3A_1551 = arith.constant 1 : i32
    %sub3A_1552 = arith.subi %div3A_1531, %sub3A_1551 : i32
    %select_n3A_1553 = arith.select %and3A_1550, %sub3A_1552, %div3A_1531 : i32
    %jit3A_1554 = arith.constant 8 : i32
    %eq3A_1555 = arith.constant 0 : i32
    %eq3A_1556 = arith.cmpi eq, %jit3A_1554, %eq3A_1555 : i32
    %jit3A_1557 = arith.constant 1 : i32
    %select_n3A_1558 = arith.select %eq3A_1556, %jit3A_1557, %jit3A_1554 : i32
    %rem3A_1559 = arith.remsi %scan3A_1529, %select_n3A_1558 : i32
    %ne3A_1560 = arith.constant 0 : i32
    %ne3A_1561 = arith.cmpi ne, %rem3A_1559, %ne3A_1560 : i32
    %lt3A_1562 = arith.constant 0 : i32
    %lt3A_1563 = arith.cmpi slt, %rem3A_1559, %lt3A_1562 : i32
    %lt3A_1564 = arith.constant 0 : i32
    %lt3A_1565 = arith.cmpi slt, %select_n3A_1558, %lt3A_1564 : i32
    %ne3A_1566 = arith.xori %lt3A_1563, %lt3A_1565 : i1
    %and3A_1567 = arith.andi %ne3A_1566, %ne3A_1561 : i1
    %add3A_1568 = arith.addi %rem3A_1559, %select_n3A_1558 : i32
    %select_n3A_1569 = arith.select %and3A_1567, %add3A_1568, %rem3A_1559 : i32
    %mul3A_1570 = arith.constant 16 : i32
    %mul3A_1571 = arith.muli %select_n3A_1569, %mul3A_1570 : i32
    %get3A_1572 = arith.index_cast %select_n3A_1553 : i32 to index
    %get3A_1573 = arith.index_cast %mul3A_1571 : i32 to index
    %get3A_1574 = tpu.vector_load %arg5[%get3A_1572, %get3A_1573] {strides = array<i32>} : memref<4x128xi32, #tpu.memory_space<vmem>>, vector<16xi32>,
    %shift_right_logical3A_1575 = arith.constant 2 : i32
    %shift_right_logical3A_1576 = vector.broadcast %shift_right_logical3A_1575 : i32 to vector<16xi32>
    %shift_right_logical3A_1577 = arith.shrui %get3A_1574, %shift_right_logical3A_1576 : vector<16xi32>
    %swap3A_1578 = arith.index_cast %select_n3A_1553 : i32 to index
    %swap3A_1579 = arith.index_cast %mul3A_1571 : i32 to index
    %swap3A_1580 = tpu.vector_load %arg6[%swap3A_1578, %swap3A_1579] {strides = array<i32>} : memref<4x128xi32, #tpu.memory_space<vmem>>, vector<16xi32>,
    tpu.vector_store %arg6[%swap3A_1578, %swap3A_1579], %shift_right_logical3A_1577 {strides = array<i32>} : memref<4x128xi32, #tpu.memory_space<vmem>>, vector<16xi32>,
    %scan3A_1581 = arith.constant 0 : i32
    %scan3A_1582 = arith.constant 30 : i32
    %jit3A_1583 = arith.constant 8 : i32
    %div3A_1584 = arith.divsi %scan3A_1582, %jit3A_1583 : i32
    %sign3A_1585 = arith.constant 0 : i32
    %sign3A_1586 = arith.cmpi sgt, %scan3A_1582, %sign3A_1585 : i32
    %sign3A_1587 = arith.extui %sign3A_1586 : i1 to i32
    %sign3A_1588 = arith.constant 0 : i32
    %sign3A_1589 = arith.cmpi slt, %scan3A_1582, %sign3A_1588 : i32
    %sign3A_1590 = arith.extui %sign3A_1589 : i1 to i32
    %sign3A_1591 = arith.subi %sign3A_1587, %sign3A_1590 : i32
    %sign3A_1592 = arith.constant 0 : i32
    %sign3A_1593 = arith.cmpi sgt, %jit3A_1583, %sign3A_1592 : i32
    %sign3A_1594 = arith.extui %sign3A_1593 : i1 to i32
    %sign3A_1595 = arith.constant 0 : i32
    %sign3A_1596 = arith.cmpi slt, %jit3A_1583, %sign3A_1595 : i32
    %sign3A_1597 = arith.extui %sign3A_1596 : i1 to i32
    %sign3A_1598 = arith.subi %sign3A_1594, %sign3A_1597 : i32
    %ne3A_1599 = arith.cmpi ne, %sign3A_1591, %sign3A_1598 : i32
    %rem3A_1600 = arith.remsi %scan3A_1582, %jit3A_1583 : i32
    %ne3A_1601 = arith.constant 0 : i32
    %ne3A_1602 = arith.cmpi ne, %rem3A_1600, %ne3A_1601 : i32
    %and3A_1603 = arith.andi %ne3A_1599, %ne3A_1602 : i1
    %sub3A_1604 = arith.constant 1 : i32
    %sub3A_1605 = arith.subi %div3A_1584, %sub3A_1604 : i32
    %select_n3A_1606 = arith.select %and3A_1603, %sub3A_1605, %div3A_1584 : i32
    %jit3A_1607 = arith.constant 8 : i32
    %eq3A_1608 = arith.constant 0 : i32
    %eq3A_1609 = arith.cmpi eq, %jit3A_1607, %eq3A_1608 : i32
    %jit3A_1610 = arith.constant 1 : i32
    %select_n3A_1611 = arith.select %eq3A_1609, %jit3A_1610, %jit3A_1607 : i32
    %rem3A_1612 = arith.remsi %scan3A_1582, %select_n3A_1611 : i32
    %ne3A_1613 = arith.constant 0 : i32
    %ne3A_1614 = arith.cmpi ne, %rem3A_1612, %ne3A_1613 : i32
    %lt3A_1615 = arith.constant 0 : i32
    %lt3A_1616 = arith.cmpi slt, %rem3A_1612, %lt3A_1615 : i32
    %lt3A_1617 = arith.constant 0 : i32
    %lt3A_1618 = arith.cmpi slt, %select_n3A_1611, %lt3A_1617 : i32
    %ne3A_1619 = arith.xori %lt3A_1616, %lt3A_1618 : i1
    %and3A_1620 = arith.andi %ne3A_1619, %ne3A_1614 : i1
    %add3A_1621 = arith.addi %rem3A_1612, %select_n3A_1611 : i32
    %select_n3A_1622 = arith.select %and3A_1620, %add3A_1621, %rem3A_1612 : i32
    %mul3A_1623 = arith.constant 16 : i32
    %mul3A_1624 = arith.muli %select_n3A_1622, %mul3A_1623 : i32
    %get3A_1625 = arith.index_cast %select_n3A_1606 : i32 to index
    %get3A_1626 = arith.index_cast %mul3A_1624 : i32 to index
    %get3A_1627 = tpu.vector_load %arg5[%get3A_1625, %get3A_1626] {strides = array<i32>} : memref<4x128xi32, #tpu.memory_space<vmem>>, vector<16xi32>,
    %shift_right_logical3A_1628 = arith.constant 2 : i32
    %shift_right_logical3A_1629 = vector.broadcast %shift_right_logical3A_1628 : i32 to vector<16xi32>
    %shift_right_logical3A_1630 = arith.shrui %get3A_1627, %shift_right_logical3A_1629 : vector<16xi32>
    %swap3A_1631 = arith.index_cast %select_n3A_1606 : i32 to index
    %swap3A_1632 = arith.index_cast %mul3A_1624 : i32 to index
    %swap3A_1633 = tpu.vector_load %arg6[%swap3A_1631, %swap3A_1632] {strides = array<i32>} : memref<4x128xi32, #tpu.memory_space<vmem>>, vector<16xi32>,
    tpu.vector_store %arg6[%swap3A_1631, %swap3A_1632], %shift_right_logical3A_1630 {strides = array<i32>} : memref<4x128xi32, #tpu.memory_space<vmem>>, vector<16xi32>,
    %scan3A_1634 = arith.constant 0 : i32
    %scan3A_1635 = arith.constant 31 : i32
    %jit3A_1636 = arith.constant 8 : i32
    %div3A_1637 = arith.divsi %scan3A_1635, %jit3A_1636 : i32
    %sign3A_1638 = arith.constant 0 : i32
    %sign3A_1639 = arith.cmpi sgt, %scan3A_1635, %sign3A_1638 : i32
    %sign3A_1640 = arith.extui %sign3A_1639 : i1 to i32
    %sign3A_1641 = arith.constant 0 : i32
    %sign3A_1642 = arith.cmpi slt, %scan3A_1635, %sign3A_1641 : i32
    %sign3A_1643 = arith.extui %sign3A_1642 : i1 to i32
    %sign3A_1644 = arith.subi %sign3A_1640, %sign3A_1643 : i32
    %sign3A_1645 = arith.constant 0 : i32
    %sign3A_1646 = arith.cmpi sgt, %jit3A_1636, %sign3A_1645 : i32
    %sign3A_1647 = arith.extui %sign3A_1646 : i1 to i32
    %sign3A_1648 = arith.constant 0 : i32
    %sign3A_1649 = arith.cmpi slt, %jit3A_1636, %sign3A_1648 : i32
    %sign3A_1650 = arith.extui %sign3A_1649 : i1 to i32
    %sign3A_1651 = arith.subi %sign3A_1647, %sign3A_1650 : i32
    %ne3A_1652 = arith.cmpi ne, %sign3A_1644, %sign3A_1651 : i32
    %rem3A_1653 = arith.remsi %scan3A_1635, %jit3A_1636 : i32
    %ne3A_1654 = arith.constant 0 : i32
    %ne3A_1655 = arith.cmpi ne, %rem3A_1653, %ne3A_1654 : i32
    %and3A_1656 = arith.andi %ne3A_1652, %ne3A_1655 : i1
    %sub3A_1657 = arith.constant 1 : i32
    %sub3A_1658 = arith.subi %div3A_1637, %sub3A_1657 : i32
    %select_n3A_1659 = arith.select %and3A_1656, %sub3A_1658, %div3A_1637 : i32
    %jit3A_1660 = arith.constant 8 : i32
    %eq3A_1661 = arith.constant 0 : i32
    %eq3A_1662 = arith.cmpi eq, %jit3A_1660, %eq3A_1661 : i32
    %jit3A_1663 = arith.constant 1 : i32
    %select_n3A_1664 = arith.select %eq3A_1662, %jit3A_1663, %jit3A_1660 : i32
    %rem3A_1665 = arith.remsi %scan3A_1635, %select_n3A_1664 : i32
    %ne3A_1666 = arith.constant 0 : i32
    %ne3A_1667 = arith.cmpi ne, %rem3A_1665, %ne3A_1666 : i32
    %lt3A_1668 = arith.constant 0 : i32
    %lt3A_1669 = arith.cmpi slt, %rem3A_1665, %lt3A_1668 : i32
    %lt3A_1670 = arith.constant 0 : i32
    %lt3A_1671 = arith.cmpi slt, %select_n3A_1664, %lt3A_1670 : i32
    %ne3A_1672 = arith.xori %lt3A_1669, %lt3A_1671 : i1
    %and3A_1673 = arith.andi %ne3A_1672, %ne3A_1667 : i1
    %add3A_1674 = arith.addi %rem3A_1665, %select_n3A_1664 : i32
    %select_n3A_1675 = arith.select %and3A_1673, %add3A_1674, %rem3A_1665 : i32
    %mul3A_1676 = arith.constant 16 : i32
    %mul3A_1677 = arith.muli %select_n3A_1675, %mul3A_1676 : i32
    %get3A_1678 = arith.index_cast %select_n3A_1659 : i32 to index
    %get3A_1679 = arith.index_cast %mul3A_1677 : i32 to index
    %get3A_1680 = tpu.vector_load %arg5[%get3A_1678, %get3A_1679] {strides = array<i32>} : memref<4x128xi32, #tpu.memory_space<vmem>>, vector<16xi32>,
    %shift_right_logical3A_1681 = arith.constant 2 : i32
    %shift_right_logical3A_1682 = vector.broadcast %shift_right_logical3A_1681 : i32 to vector<16xi32>
    %shift_right_logical3A_1683 = arith.shrui %get3A_1680, %shift_right_logical3A_1682 : vector<16xi32>
    %swap3A_1684 = arith.index_cast %select_n3A_1659 : i32 to index
    %swap3A_1685 = arith.index_cast %mul3A_1677 : i32 to index
    %swap3A_1686 = tpu.vector_load %arg6[%swap3A_1684, %swap3A_1685] {strides = array<i32>} : memref<4x128xi32, #tpu.memory_space<vmem>>, vector<16xi32>,
    tpu.vector_store %arg6[%swap3A_1684, %swap3A_1685], %shift_right_logical3A_1683 {strides = array<i32>} : memref<4x128xi32, #tpu.memory_space<vmem>>, vector<16xi32>,
    %scan3A_1687 = arith.constant 0 : i32
    %scan3A_1688 = arith.constant 32 : i32
    %dma_start3A = arith.constant 0 : i32
    %dma_start3A_1689 = arith.constant 0 : i32
    %dma_start3A_1690 = arith.constant 0 : i32
    %dma_start3A_1691 = tpu.memref_slice %arg7[%dma_start3A_1689, %dma_start3A_1690] : memref<512x128xi32, #tpu.memory_space<vmem>> -> memref<128x128xi32, #tpu.memory_space<vmem>>
    %dma_start3A_1692 = arith.constant 0 : i32
    %dma_start3A_1693 = tpu.memref_slice %arg6[%dma_start3A, %dma_start3A_1692] : memref<4x128xi32, #tpu.memory_space<vmem>> -> memref<1x128xi32, #tpu.memory_space<vmem>>
    %dma_start3A_1694 = tpu.memref_squeeze %dma_start3A_1693 : memref<1x128xi32, #tpu.memory_space<vmem>> -> memref<128xi32, #tpu.memory_space<vmem>>
    %dma_start3A_1695 = arith.constant 0 : i32
    %dma_start3A_1696 = arith.constant 0 : i32
    %dma_start3A_1697 = tpu.memref_slice %arg3[%dma_start3A_1695, %dma_start3A_1696] : memref<250000x128xi32, #tpu.memory_space<hbm>> -> memref<250000x128xi32, #tpu.memory_space<hbm>>
    tpu.enqueue_indirect_dma source(%dma_start3A_1697 : memref<250000x128xi32, #tpu.memory_space<hbm>>) target(%dma_start3A_1691 : memref<128x128xi32, #tpu.memory_space<vmem>>) offsets(%dma_start3A_1694 : memref<128xi32, #tpu.memory_space<vmem>>) semaphore(%arg9 : memref<!tpu.dma_semaphore, #tpu.memory_space<semaphore_mem>>)
    %dma_start3A_1698 = arith.constant 1 : i32
    %dma_start3A_1699 = arith.constant 128 : i32
    %dma_start3A_1700 = arith.constant 0 : i32
    %dma_start3A_1701 = tpu.memref_slice %arg7[%dma_start3A_1699, %dma_start3A_1700] : memref<512x128xi32, #tpu.memory_space<vmem>> -> memref<128x128xi32, #tpu.memory_space<vmem>>
    %dma_start3A_1702 = arith.constant 0 : i32
    %dma_start3A_1703 = tpu.memref_slice %arg6[%dma_start3A_1698, %dma_start3A_1702] : memref<4x128xi32, #tpu.memory_space<vmem>> -> memref<1x128xi32, #tpu.memory_space<vmem>>
    %dma_start3A_1704 = tpu.memref_squeeze %dma_start3A_1703 : memref<1x128xi32, #tpu.memory_space<vmem>> -> memref<128xi32, #tpu.memory_space<vmem>>
    %dma_start3A_1705 = arith.constant 0 : i32
    %dma_start3A_1706 = arith.constant 0 : i32
    %dma_start3A_1707 = tpu.memref_slice %arg3[%dma_start3A_1705, %dma_start3A_1706] : memref<250000x128xi32, #tpu.memory_space<hbm>> -> memref<250000x128xi32, #tpu.memory_space<hbm>>
    tpu.enqueue_indirect_dma source(%dma_start3A_1707 : memref<250000x128xi32, #tpu.memory_space<hbm>>) target(%dma_start3A_1701 : memref<128x128xi32, #tpu.memory_space<vmem>>) offsets(%dma_start3A_1704 : memref<128xi32, #tpu.memory_space<vmem>>) semaphore(%arg9 : memref<!tpu.dma_semaphore, #tpu.memory_space<semaphore_mem>>)
    %dma_start3A_1708 = arith.constant 2 : i32
    %dma_start3A_1709 = arith.constant 256 : i32
    %dma_start3A_1710 = arith.constant 0 : i32
    %dma_start3A_1711 = tpu.memref_slice %arg7[%dma_start3A_1709, %dma_start3A_1710] : memref<512x128xi32, #tpu.memory_space<vmem>> -> memref<128x128xi32, #tpu.memory_space<vmem>>
    %dma_start3A_1712 = arith.constant 0 : i32
    %dma_start3A_1713 = tpu.memref_slice %arg6[%dma_start3A_1708, %dma_start3A_1712] : memref<4x128xi32, #tpu.memory_space<vmem>> -> memref<1x128xi32, #tpu.memory_space<vmem>>
    %dma_start3A_1714 = tpu.memref_squeeze %dma_start3A_1713 : memref<1x128xi32, #tpu.memory_space<vmem>> -> memref<128xi32, #tpu.memory_space<vmem>>
    %dma_start3A_1715 = arith.constant 0 : i32
    %dma_start3A_1716 = arith.constant 0 : i32
    %dma_start3A_1717 = tpu.memref_slice %arg3[%dma_start3A_1715, %dma_start3A_1716] : memref<250000x128xi32, #tpu.memory_space<hbm>> -> memref<250000x128xi32, #tpu.memory_space<hbm>>
    tpu.enqueue_indirect_dma source(%dma_start3A_1717 : memref<250000x128xi32, #tpu.memory_space<hbm>>) target(%dma_start3A_1711 : memref<128x128xi32, #tpu.memory_space<vmem>>) offsets(%dma_start3A_1714 : memref<128xi32, #tpu.memory_space<vmem>>) semaphore(%arg9 : memref<!tpu.dma_semaphore, #tpu.memory_space<semaphore_mem>>)
    %dma_start3A_1718 = arith.constant 3 : i32
    %dma_start3A_1719 = arith.constant 384 : i32
    %dma_start3A_1720 = arith.constant 0 : i32
    %dma_start3A_1721 = tpu.memref_slice %arg7[%dma_start3A_1719, %dma_start3A_1720] : memref<512x128xi32, #tpu.memory_space<vmem>> -> memref<128x128xi32, #tpu.memory_space<vmem>>
    %dma_start3A_1722 = arith.constant 0 : i32
    %dma_start3A_1723 = tpu.memref_slice %arg6[%dma_start3A_1718, %dma_start3A_1722] : memref<4x128xi32, #tpu.memory_space<vmem>> -> memref<1x128xi32, #tpu.memory_space<vmem>>
    %dma_start3A_1724 = tpu.memref_squeeze %dma_start3A_1723 : memref<1x128xi32, #tpu.memory_space<vmem>> -> memref<128xi32, #tpu.memory_space<vmem>>
    %dma_start3A_1725 = arith.constant 0 : i32
    %dma_start3A_1726 = arith.constant 0 : i32
    %dma_start3A_1727 = tpu.memref_slice %arg3[%dma_start3A_1725, %dma_start3A_1726] : memref<250000x128xi32, #tpu.memory_space<hbm>> -> memref<250000x128xi32, #tpu.memory_space<hbm>>
    tpu.enqueue_indirect_dma source(%dma_start3A_1727 : memref<250000x128xi32, #tpu.memory_space<hbm>>) target(%dma_start3A_1721 : memref<128x128xi32, #tpu.memory_space<vmem>>) offsets(%dma_start3A_1724 : memref<128xi32, #tpu.memory_space<vmem>>) semaphore(%arg9 : memref<!tpu.dma_semaphore, #tpu.memory_space<semaphore_mem>>)
    %dma_wait3A = arith.constant 0 : i32
    %dma_wait3A_1728 = arith.constant 0 : i32
    %dma_wait3A_1729 = arith.constant 0 : i32
    %dma_wait3A_1730 = tpu.memref_slice %arg7[%dma_wait3A_1728, %dma_wait3A_1729] : memref<512x128xi32, #tpu.memory_space<vmem>> -> memref<128x128xi32, #tpu.memory_space<vmem>>
    %dma_wait3A_1731 = arith.constant 0 : i32
    %dma_wait3A_1732 = tpu.memref_slice %arg6[%dma_wait3A, %dma_wait3A_1731] : memref<4x128xi32, #tpu.memory_space<vmem>> -> memref<1x128xi32, #tpu.memory_space<vmem>>
    %dma_wait3A_1733 = tpu.memref_squeeze %dma_wait3A_1732 : memref<1x128xi32, #tpu.memory_space<vmem>> -> memref<128xi32, #tpu.memory_space<vmem>>
    %dma_wait3A_1734 = arith.constant 0 : i32
    %dma_wait3A_1735 = arith.constant 0 : i32
    %dma_wait3A_1736 = tpu.memref_slice %arg3[%dma_wait3A_1734, %dma_wait3A_1735] : memref<250000x128xi32, #tpu.memory_space<hbm>> -> memref<250000x128xi32, #tpu.memory_space<hbm>>
    tpu.wait_indirect_dma semaphore(%arg9 : memref<!tpu.dma_semaphore, #tpu.memory_space<semaphore_mem>>) src(%dma_wait3A_1736 : memref<250000x128xi32, #tpu.memory_space<hbm>>) dst(%dma_wait3A_1730 : memref<128x128xi32, #tpu.memory_space<vmem>>)
    %dma_wait3A_1737 = arith.constant 1 : i32
    %dma_wait3A_1738 = arith.constant 128 : i32
    %dma_wait3A_1739 = arith.constant 0 : i32
    %dma_wait3A_1740 = tpu.memref_slice %arg7[%dma_wait3A_1738, %dma_wait3A_1739] : memref<512x128xi32, #tpu.memory_space<vmem>> -> memref<128x128xi32, #tpu.memory_space<vmem>>
    %dma_wait3A_1741 = arith.constant 0 : i32
    %dma_wait3A_1742 = tpu.memref_slice %arg6[%dma_wait3A_1737, %dma_wait3A_1741] : memref<4x128xi32, #tpu.memory_space<vmem>> -> memref<1x128xi32, #tpu.memory_space<vmem>>
    %dma_wait3A_1743 = tpu.memref_squeeze %dma_wait3A_1742 : memref<1x128xi32, #tpu.memory_space<vmem>> -> memref<128xi32, #tpu.memory_space<vmem>>
    %dma_wait3A_1744 = arith.constant 0 : i32
    %dma_wait3A_1745 = arith.constant 0 : i32
    %dma_wait3A_1746 = tpu.memref_slice %arg3[%dma_wait3A_1744, %dma_wait3A_1745] : memref<250000x128xi32, #tpu.memory_space<hbm>> -> memref<250000x128xi32, #tpu.memory_space<hbm>>
    tpu.wait_indirect_dma semaphore(%arg9 : memref<!tpu.dma_semaphore, #tpu.memory_space<semaphore_mem>>) src(%dma_wait3A_1746 : memref<250000x128xi32, #tpu.memory_space<hbm>>) dst(%dma_wait3A_1740 : memref<128x128xi32, #tpu.memory_space<vmem>>)
    %dma_wait3A_1747 = arith.constant 2 : i32
    %dma_wait3A_1748 = arith.constant 256 : i32
    %dma_wait3A_1749 = arith.constant 0 : i32
    %dma_wait3A_1750 = tpu.memref_slice %arg7[%dma_wait3A_1748, %dma_wait3A_1749] : memref<512x128xi32, #tpu.memory_space<vmem>> -> memref<128x128xi32, #tpu.memory_space<vmem>>
    %dma_wait3A_1751 = arith.constant 0 : i32
    %dma_wait3A_1752 = tpu.memref_slice %arg6[%dma_wait3A_1747, %dma_wait3A_1751] : memref<4x128xi32, #tpu.memory_space<vmem>> -> memref<1x128xi32, #tpu.memory_space<vmem>>
    %dma_wait3A_1753 = tpu.memref_squeeze %dma_wait3A_1752 : memref<1x128xi32, #tpu.memory_space<vmem>> -> memref<128xi32, #tpu.memory_space<vmem>>
    %dma_wait3A_1754 = arith.constant 0 : i32
    %dma_wait3A_1755 = arith.constant 0 : i32
    %dma_wait3A_1756 = tpu.memref_slice %arg3[%dma_wait3A_1754, %dma_wait3A_1755] : memref<250000x128xi32, #tpu.memory_space<hbm>> -> memref<250000x128xi32, #tpu.memory_space<hbm>>
    tpu.wait_indirect_dma semaphore(%arg9 : memref<!tpu.dma_semaphore, #tpu.memory_space<semaphore_mem>>) src(%dma_wait3A_1756 : memref<250000x128xi32, #tpu.memory_space<hbm>>) dst(%dma_wait3A_1750 : memref<128x128xi32, #tpu.memory_space<vmem>>)
    %dma_wait3A_1757 = arith.constant 3 : i32
    %dma_wait3A_1758 = arith.constant 384 : i32
    %dma_wait3A_1759 = arith.constant 0 : i32
    %dma_wait3A_1760 = tpu.memref_slice %arg7[%dma_wait3A_1758, %dma_wait3A_1759] : memref<512x128xi32, #tpu.memory_space<vmem>> -> memref<128x128xi32, #tpu.memory_space<vmem>>
    %dma_wait3A_1761 = arith.constant 0 : i32
    %dma_wait3A_1762 = tpu.memref_slice %arg6[%dma_wait3A_1757, %dma_wait3A_1761] : memref<4x128xi32, #tpu.memory_space<vmem>> -> memref<1x128xi32, #tpu.memory_space<vmem>>
    %dma_wait3A_1763 = tpu.memref_squeeze %dma_wait3A_1762 : memref<1x128xi32, #tpu.memory_space<vmem>> -> memref<128xi32, #tpu.memory_space<vmem>>
    %dma_wait3A_1764 = arith.constant 0 : i32
    %dma_wait3A_1765 = arith.constant 0 : i32
    %dma_wait3A_1766 = tpu.memref_slice %arg3[%dma_wait3A_1764, %dma_wait3A_1765] : memref<250000x128xi32, #tpu.memory_space<hbm>> -> memref<250000x128xi32, #tpu.memory_space<hbm>>
    tpu.wait_indirect_dma semaphore(%arg9 : memref<!tpu.dma_semaphore, #tpu.memory_space<semaphore_mem>>) src(%dma_wait3A_1766 : memref<250000x128xi32, #tpu.memory_space<hbm>>) dst(%dma_wait3A_1760 : memref<128x128xi32, #tpu.memory_space<vmem>>)
    %iota3A = tpu.iota {dimensions = array<i32: 0>} : vector<16xi32>
    %scan3A_1767 = arith.constant 0 : i32
    %scan3A_1768 = arith.constant 0 : i32
    %scan3A_1769 = arith.constant 32 : i32
    %scan3A_1770 = arith.addi %scan3A_1768, %scan3A_1769 : i32
    %scan3A_1771 = arith.constant 1 : i32
    %scan3A_1772 = scf.for %scan3A_1774 = %scan3A_1768 to %scan3A_1770 step %scan3A_1771 iter_args(%scan3A_1775 = %scan3A_1767) -> (i32)  : i32 {
      %jit3A_1776 = arith.constant 8 : i32
      %div3A_1777 = arith.divsi %scan3A_1774, %jit3A_1776 : i32
      %sign3A_1778 = arith.constant 0 : i32
      %sign3A_1779 = arith.cmpi sgt, %scan3A_1774, %sign3A_1778 : i32
      %sign3A_1780 = arith.extui %sign3A_1779 : i1 to i32
      %sign3A_1781 = arith.constant 0 : i32
      %sign3A_1782 = arith.cmpi slt, %scan3A_1774, %sign3A_1781 : i32
      %sign3A_1783 = arith.extui %sign3A_1782 : i1 to i32
      %sign3A_1784 = arith.subi %sign3A_1780, %sign3A_1783 : i32
      %sign3A_1785 = arith.constant 0 : i32
      %sign3A_1786 = arith.cmpi sgt, %jit3A_1776, %sign3A_1785 : i32
      %sign3A_1787 = arith.extui %sign3A_1786 : i1 to i32
      %sign3A_1788 = arith.constant 0 : i32
      %sign3A_1789 = arith.cmpi slt, %jit3A_1776, %sign3A_1788 : i32
      %sign3A_1790 = arith.extui %sign3A_1789 : i1 to i32
      %sign3A_1791 = arith.subi %sign3A_1787, %sign3A_1790 : i32
      %ne3A_1792 = arith.cmpi ne, %sign3A_1784, %sign3A_1791 : i32
      %rem3A_1793 = arith.remsi %scan3A_1774, %jit3A_1776 : i32
      %ne3A_1794 = arith.constant 0 : i32
      %ne3A_1795 = arith.cmpi ne, %rem3A_1793, %ne3A_1794 : i32
      %and3A_1796 = arith.andi %ne3A_1792, %ne3A_1795 : i1
      %sub3A_1797 = arith.constant 1 : i32
      %sub3A_1798 = arith.subi %div3A_1777, %sub3A_1797 : i32
      %select_n3A_1799 = arith.select %and3A_1796, %sub3A_1798, %div3A_1777 : i32
      %jit3A_1800 = arith.constant 8 : i32
      %eq3A_1801 = arith.constant 0 : i32
      %eq3A_1802 = arith.cmpi eq, %jit3A_1800, %eq3A_1801 : i32
      %jit3A_1803 = arith.constant 1 : i32
      %select_n3A_1804 = arith.select %eq3A_1802, %jit3A_1803, %jit3A_1800 : i32
      %rem3A_1805 = arith.remsi %scan3A_1774, %select_n3A_1804 : i32
      %ne3A_1806 = arith.constant 0 : i32
      %ne3A_1807 = arith.cmpi ne, %rem3A_1805, %ne3A_1806 : i32
      %lt3A_1808 = arith.constant 0 : i32
      %lt3A_1809 = arith.cmpi slt, %rem3A_1805, %lt3A_1808 : i32
      %lt3A_1810 = arith.constant 0 : i32
      %lt3A_1811 = arith.cmpi slt, %select_n3A_1804, %lt3A_1810 : i32
      %ne3A_1812 = arith.xori %lt3A_1809, %lt3A_1811 : i1
      %and3A_1813 = arith.andi %ne3A_1812, %ne3A_1807 : i1
      %add3A_1814 = arith.addi %rem3A_1805, %select_n3A_1804 : i32
      %select_n3A_1815 = arith.select %and3A_1813, %add3A_1814, %rem3A_1805 : i32
      %mul3A_1816 = arith.constant 16 : i32
      %mul3A_1817 = arith.muli %select_n3A_1815, %mul3A_1816 : i32
      %get3A_1818 = arith.index_cast %select_n3A_1799 : i32 to index
      %get3A_1819 = arith.index_cast %mul3A_1817 : i32 to index
      %get3A_1820 = tpu.vector_load %arg5[%get3A_1818, %get3A_1819] {strides = array<i32>} : memref<4x128xi32, #tpu.memory_space<vmem>>, vector<16xi32>,
      %mul3A_1821 = arith.constant 128 : i32
      %mul3A_1822 = arith.muli %select_n3A_1799, %mul3A_1821 : i32
      %add3A_1823 = arith.addi %mul3A_1822, %mul3A_1817 : i32
      %add3A_1824 = vector.broadcast %add3A_1823 : i32 to vector<16xi32>
      %add3A_1825 = arith.addi %add3A_1824, %iota3A : vector<16xi32>
      %and3A_1826 = arith.constant 3 : i32
      %and3A_1827 = vector.broadcast %and3A_1826 : i32 to vector<16xi32>
      %and3A_1828 = arith.andi %get3A_1820, %and3A_1827 : vector<16xi32>
      %shift_left3A = arith.constant 5 : i32
      %shift_left3A_1829 = vector.broadcast %shift_left3A : i32 to vector<16xi32>
      %shift_left3A_1830 = arith.shli %and3A_1828, %shift_left3A_1829 : vector<16xi32>
      %scan3A_1831 = arith.constant 0 : i32
      %scan3A_1832 = arith.constant 0 : i32
      %scan3A_1833 = arith.constant 32 : i32
      %scan3A_1834 = arith.addi %scan3A_1832, %scan3A_1833 : i32
      %scan3A_1835 = arith.constant 8 : i32
      %scan3A_1836 = scf.for %scan3A_1839 = %scan3A_1832 to %scan3A_1834 step %scan3A_1835 iter_args(%scan3A_1840 = %scan3A_1831) -> (i32)  : i32 {
        %add3A_1841 = vector.broadcast %scan3A_1839 : i32 to vector<16xi32>
        %add3A_1842 = arith.addi %shift_left3A_1830, %add3A_1841 : vector<16xi32>
        %gather3A = tpu.vector_load_idx %arg7[%add3A_1825, %add3A_1842] : memref<512x128xi32, #tpu.memory_space<vmem>>[vector<16xi32>, vector<16xi32>], vector<16xi32>,
        %shift_left3A_1843 = arith.constant 16 : i32
        %shift_left3A_1844 = vector.broadcast %shift_left3A_1843 : i32 to vector<16xi32>
        %shift_left3A_1845 = arith.shli %gather3A, %shift_left3A_1844 : vector<16xi32>
        %bitcast3A = vector.bitcast %shift_left3A_1845 : vector<16xi32> to vector<16xf32>
        %and3A_1846 = arith.constant -65536 : i32
        %and3A_1847 = vector.broadcast %and3A_1846 : i32 to vector<16xi32>
        %and3A_1848 = arith.andi %gather3A, %and3A_1847 : vector<16xi32>
        %bitcast3A_1849 = vector.bitcast %and3A_1848 : vector<16xi32> to vector<16xf32>
        %broadcast_in_dim3A = arith.constant 0 : i32
        %broadcast_in_dim3A_1850 = vector.broadcast %broadcast_in_dim3A : i32 to vector<16xi32>
        %mul3A_1851 = arith.constant 2 : i32
        %mul3A_1852 = arith.muli %mul3A_1851, %scan3A_1839 : i32
        %add3A_1853 = vector.broadcast %mul3A_1852 : i32 to vector<16xi32>
        %add3A_1854 = arith.addi %broadcast_in_dim3A_1850, %add3A_1853 : vector<16xi32>
        tpu.vector_store_idx %arg8[%add3A_1825, %add3A_1854], %bitcast3A : memref<512x64xf32, #tpu.memory_space<vmem>>[vector<16xi32>, vector<16xi32>], vector<16xf32>,
        %mul3A_1855 = arith.constant 2 : i32
        %mul3A_1856 = arith.muli %mul3A_1855, %scan3A_1839 : i32
        %add3A_1857 = vector.broadcast %mul3A_1856 : i32 to vector<16xi32>
        %add3A_1858 = arith.addi %broadcast_in_dim3A_1850, %add3A_1857 : vector<16xi32>
        %add3A_1859 = arith.constant 1 : i32
        %add3A_1860 = vector.broadcast %add3A_1859 : i32 to vector<16xi32>
        %add3A_1861 = arith.addi %add3A_1858, %add3A_1860 : vector<16xi32>
        tpu.vector_store_idx %arg8[%add3A_1825, %add3A_1861], %bitcast3A_1849 : memref<512x64xf32, #tpu.memory_space<vmem>>[vector<16xi32>, vector<16xi32>], vector<16xf32>,
        %scan3A_1862 = arith.constant 0 : i32
        %scan3A_1863 = arith.constant 1 : i32
        %scan3A_1864 = arith.addi %scan3A_1839, %scan3A_1863 : i32
        %add3A_1865 = vector.broadcast %scan3A_1864 : i32 to vector<16xi32>
        %add3A_1866 = arith.addi %shift_left3A_1830, %add3A_1865 : vector<16xi32>
        %gather3A_1867 = tpu.vector_load_idx %arg7[%add3A_1825, %add3A_1866] : memref<512x128xi32, #tpu.memory_space<vmem>>[vector<16xi32>, vector<16xi32>], vector<16xi32>,
        %shift_left3A_1868 = arith.constant 16 : i32
        %shift_left3A_1869 = vector.broadcast %shift_left3A_1868 : i32 to vector<16xi32>
        %shift_left3A_1870 = arith.shli %gather3A_1867, %shift_left3A_1869 : vector<16xi32>
        %bitcast3A_1871 = vector.bitcast %shift_left3A_1870 : vector<16xi32> to vector<16xf32>
        %and3A_1872 = arith.constant -65536 : i32
        %and3A_1873 = vector.broadcast %and3A_1872 : i32 to vector<16xi32>
        %and3A_1874 = arith.andi %gather3A_1867, %and3A_1873 : vector<16xi32>
        %bitcast3A_1875 = vector.bitcast %and3A_1874 : vector<16xi32> to vector<16xf32>
        %broadcast_in_dim3A_1876 = arith.constant 0 : i32
        %broadcast_in_dim3A_1877 = vector.broadcast %broadcast_in_dim3A_1876 : i32 to vector<16xi32>
        %mul3A_1878 = arith.constant 2 : i32
        %mul3A_1879 = arith.muli %mul3A_1878, %scan3A_1864 : i32
        %add3A_1880 = vector.broadcast %mul3A_1879 : i32 to vector<16xi32>
        %add3A_1881 = arith.addi %broadcast_in_dim3A_1877, %add3A_1880 : vector<16xi32>
        tpu.vector_store_idx %arg8[%add3A_1825, %add3A_1881], %bitcast3A_1871 : memref<512x64xf32, #tpu.memory_space<vmem>>[vector<16xi32>, vector<16xi32>], vector<16xf32>,
        %mul3A_1882 = arith.constant 2 : i32
        %mul3A_1883 = arith.muli %mul3A_1882, %scan3A_1864 : i32
        %add3A_1884 = vector.broadcast %mul3A_1883 : i32 to vector<16xi32>
        %add3A_1885 = arith.addi %broadcast_in_dim3A_1877, %add3A_1884 : vector<16xi32>
        %add3A_1886 = arith.constant 1 : i32
        %add3A_1887 = vector.broadcast %add3A_1886 : i32 to vector<16xi32>
        %add3A_1888 = arith.addi %add3A_1885, %add3A_1887 : vector<16xi32>
        tpu.vector_store_idx %arg8[%add3A_1825, %add3A_1888], %bitcast3A_1875 : memref<512x64xf32, #tpu.memory_space<vmem>>[vector<16xi32>, vector<16xi32>], vector<16xf32>,
        %scan3A_1889 = arith.constant 0 : i32
        %scan3A_1890 = arith.constant 2 : i32
        %scan3A_1891 = arith.addi %scan3A_1839, %scan3A_1890 : i32
        %add3A_1892 = vector.broadcast %scan3A_1891 : i32 to vector<16xi32>
        %add3A_1893 = arith.addi %shift_left3A_1830, %add3A_1892 : vector<16xi32>
        %gather3A_1894 = tpu.vector_load_idx %arg7[%add3A_1825, %add3A_1893] : memref<512x128xi32, #tpu.memory_space<vmem>>[vector<16xi32>, vector<16xi32>], vector<16xi32>,
        %shift_left3A_1895 = arith.constant 16 : i32
        %shift_left3A_1896 = vector.broadcast %shift_left3A_1895 : i32 to vector<16xi32>
        %shift_left3A_1897 = arith.shli %gather3A_1894, %shift_left3A_1896 : vector<16xi32>
        %bitcast3A_1898 = vector.bitcast %shift_left3A_1897 : vector<16xi32> to vector<16xf32>
        %and3A_1899 = arith.constant -65536 : i32
        %and3A_1900 = vector.broadcast %and3A_1899 : i32 to vector<16xi32>
        %and3A_1901 = arith.andi %gather3A_1894, %and3A_1900 : vector<16xi32>
        %bitcast3A_1902 = vector.bitcast %and3A_1901 : vector<16xi32> to vector<16xf32>
        %broadcast_in_dim3A_1903 = arith.constant 0 : i32
        %broadcast_in_dim3A_1904 = vector.broadcast %broadcast_in_dim3A_1903 : i32 to vector<16xi32>
        %mul3A_1905 = arith.constant 2 : i32
        %mul3A_1906 = arith.muli %mul3A_1905, %scan3A_1891 : i32
        %add3A_1907 = vector.broadcast %mul3A_1906 : i32 to vector<16xi32>
        %add3A_1908 = arith.addi %broadcast_in_dim3A_1904, %add3A_1907 : vector<16xi32>
        tpu.vector_store_idx %arg8[%add3A_1825, %add3A_1908], %bitcast3A_1898 : memref<512x64xf32, #tpu.memory_space<vmem>>[vector<16xi32>, vector<16xi32>], vector<16xf32>,
        %mul3A_1909 = arith.constant 2 : i32
        %mul3A_1910 = arith.muli %mul3A_1909, %scan3A_1891 : i32
        %add3A_1911 = vector.broadcast %mul3A_1910 : i32 to vector<16xi32>
        %add3A_1912 = arith.addi %broadcast_in_dim3A_1904, %add3A_1911 : vector<16xi32>
        %add3A_1913 = arith.constant 1 : i32
        %add3A_1914 = vector.broadcast %add3A_1913 : i32 to vector<16xi32>
        %add3A_1915 = arith.addi %add3A_1912, %add3A_1914 : vector<16xi32>
        tpu.vector_store_idx %arg8[%add3A_1825, %add3A_1915], %bitcast3A_1902 : memref<512x64xf32, #tpu.memory_space<vmem>>[vector<16xi32>, vector<16xi32>], vector<16xf32>,
        %scan3A_1916 = arith.constant 0 : i32
        %scan3A_1917 = arith.constant 3 : i32
        %scan3A_1918 = arith.addi %scan3A_1839, %scan3A_1917 : i32
        %add3A_1919 = vector.broadcast %scan3A_1918 : i32 to vector<16xi32>
        %add3A_1920 = arith.addi %shift_left3A_1830, %add3A_1919 : vector<16xi32>
        %gather3A_1921 = tpu.vector_load_idx %arg7[%add3A_1825, %add3A_1920] : memref<512x128xi32, #tpu.memory_space<vmem>>[vector<16xi32>, vector<16xi32>], vector<16xi32>,
        %shift_left3A_1922 = arith.constant 16 : i32
        %shift_left3A_1923 = vector.broadcast %shift_left3A_1922 : i32 to vector<16xi32>
        %shift_left3A_1924 = arith.shli %gather3A_1921, %shift_left3A_1923 : vector<16xi32>
        %bitcast3A_1925 = vector.bitcast %shift_left3A_1924 : vector<16xi32> to vector<16xf32>
        %and3A_1926 = arith.constant -65536 : i32
        %and3A_1927 = vector.broadcast %and3A_1926 : i32 to vector<16xi32>
        %and3A_1928 = arith.andi %gather3A_1921, %and3A_1927 : vector<16xi32>
        %bitcast3A_1929 = vector.bitcast %and3A_1928 : vector<16xi32> to vector<16xf32>
        %broadcast_in_dim3A_1930 = arith.constant 0 : i32
        %broadcast_in_dim3A_1931 = vector.broadcast %broadcast_in_dim3A_1930 : i32 to vector<16xi32>
        %mul3A_1932 = arith.constant 2 : i32
        %mul3A_1933 = arith.muli %mul3A_1932, %scan3A_1918 : i32
        %add3A_1934 = vector.broadcast %mul3A_1933 : i32 to vector<16xi32>
        %add3A_1935 = arith.addi %broadcast_in_dim3A_1931, %add3A_1934 : vector<16xi32>
        tpu.vector_store_idx %arg8[%add3A_1825, %add3A_1935], %bitcast3A_1925 : memref<512x64xf32, #tpu.memory_space<vmem>>[vector<16xi32>, vector<16xi32>], vector<16xf32>,
        %mul3A_1936 = arith.constant 2 : i32
        %mul3A_1937 = arith.muli %mul3A_1936, %scan3A_1918 : i32
        %add3A_1938 = vector.broadcast %mul3A_1937 : i32 to vector<16xi32>
        %add3A_1939 = arith.addi %broadcast_in_dim3A_1931, %add3A_1938 : vector<16xi32>
        %add3A_1940 = arith.constant 1 : i32
        %add3A_1941 = vector.broadcast %add3A_1940 : i32 to vector<16xi32>
        %add3A_1942 = arith.addi %add3A_1939, %add3A_1941 : vector<16xi32>
        tpu.vector_store_idx %arg8[%add3A_1825, %add3A_1942], %bitcast3A_1929 : memref<512x64xf32, #tpu.memory_space<vmem>>[vector<16xi32>, vector<16xi32>], vector<16xf32>,
        %scan3A_1943 = arith.constant 0 : i32
        %scan3A_1944 = arith.constant 4 : i32
        %scan3A_1945 = arith.addi %scan3A_1839, %scan3A_1944 : i32
        %add3A_1946 = vector.broadcast %scan3A_1945 : i32 to vector<16xi32>
        %add3A_1947 = arith.addi %shift_left3A_1830, %add3A_1946 : vector<16xi32>
        %gather3A_1948 = tpu.vector_load_idx %arg7[%add3A_1825, %add3A_1947] : memref<512x128xi32, #tpu.memory_space<vmem>>[vector<16xi32>, vector<16xi32>], vector<16xi32>,
        %shift_left3A_1949 = arith.constant 16 : i32
        %shift_left3A_1950 = vector.broadcast %shift_left3A_1949 : i32 to vector<16xi32>
        %shift_left3A_1951 = arith.shli %gather3A_1948, %shift_left3A_1950 : vector<16xi32>
        %bitcast3A_1952 = vector.bitcast %shift_left3A_1951 : vector<16xi32> to vector<16xf32>
        %and3A_1953 = arith.constant -65536 : i32
        %and3A_1954 = vector.broadcast %and3A_1953 : i32 to vector<16xi32>
        %and3A_1955 = arith.andi %gather3A_1948, %and3A_1954 : vector<16xi32>
        %bitcast3A_1956 = vector.bitcast %and3A_1955 : vector<16xi32> to vector<16xf32>
        %broadcast_in_dim3A_1957 = arith.constant 0 : i32
        %broadcast_in_dim3A_1958 = vector.broadcast %broadcast_in_dim3A_1957 : i32 to vector<16xi32>
        %mul3A_1959 = arith.constant 2 : i32
        %mul3A_1960 = arith.muli %mul3A_1959, %scan3A_1945 : i32
        %add3A_1961 = vector.broadcast %mul3A_1960 : i32 to vector<16xi32>
        %add3A_1962 = arith.addi %broadcast_in_dim3A_1958, %add3A_1961 : vector<16xi32>
        tpu.vector_store_idx %arg8[%add3A_1825, %add3A_1962], %bitcast3A_1952 : memref<512x64xf32, #tpu.memory_space<vmem>>[vector<16xi32>, vector<16xi32>], vector<16xf32>,
        %mul3A_1963 = arith.constant 2 : i32
        %mul3A_1964 = arith.muli %mul3A_1963, %scan3A_1945 : i32
        %add3A_1965 = vector.broadcast %mul3A_1964 : i32 to vector<16xi32>
        %add3A_1966 = arith.addi %broadcast_in_dim3A_1958, %add3A_1965 : vector<16xi32>
        %add3A_1967 = arith.constant 1 : i32
        %add3A_1968 = vector.broadcast %add3A_1967 : i32 to vector<16xi32>
        %add3A_1969 = arith.addi %add3A_1966, %add3A_1968 : vector<16xi32>
        tpu.vector_store_idx %arg8[%add3A_1825, %add3A_1969], %bitcast3A_1956 : memref<512x64xf32, #tpu.memory_space<vmem>>[vector<16xi32>, vector<16xi32>], vector<16xf32>,
        %scan3A_1970 = arith.constant 0 : i32
        %scan3A_1971 = arith.constant 5 : i32
        %scan3A_1972 = arith.addi %scan3A_1839, %scan3A_1971 : i32
        %add3A_1973 = vector.broadcast %scan3A_1972 : i32 to vector<16xi32>
        %add3A_1974 = arith.addi %shift_left3A_1830, %add3A_1973 : vector<16xi32>
        %gather3A_1975 = tpu.vector_load_idx %arg7[%add3A_1825, %add3A_1974] : memref<512x128xi32, #tpu.memory_space<vmem>>[vector<16xi32>, vector<16xi32>], vector<16xi32>,
        %shift_left3A_1976 = arith.constant 16 : i32
        %shift_left3A_1977 = vector.broadcast %shift_left3A_1976 : i32 to vector<16xi32>
        %shift_left3A_1978 = arith.shli %gather3A_1975, %shift_left3A_1977 : vector<16xi32>
        %bitcast3A_1979 = vector.bitcast %shift_left3A_1978 : vector<16xi32> to vector<16xf32>
        %and3A_1980 = arith.constant -65536 : i32
        %and3A_1981 = vector.broadcast %and3A_1980 : i32 to vector<16xi32>
        %and3A_1982 = arith.andi %gather3A_1975, %and3A_1981 : vector<16xi32>
        %bitcast3A_1983 = vector.bitcast %and3A_1982 : vector<16xi32> to vector<16xf32>
        %broadcast_in_dim3A_1984 = arith.constant 0 : i32
        %broadcast_in_dim3A_1985 = vector.broadcast %broadcast_in_dim3A_1984 : i32 to vector<16xi32>
        %mul3A_1986 = arith.constant 2 : i32
        %mul3A_1987 = arith.muli %mul3A_1986, %scan3A_1972 : i32
        %add3A_1988 = vector.broadcast %mul3A_1987 : i32 to vector<16xi32>
        %add3A_1989 = arith.addi %broadcast_in_dim3A_1985, %add3A_1988 : vector<16xi32>
        tpu.vector_store_idx %arg8[%add3A_1825, %add3A_1989], %bitcast3A_1979 : memref<512x64xf32, #tpu.memory_space<vmem>>[vector<16xi32>, vector<16xi32>], vector<16xf32>,
        %mul3A_1990 = arith.constant 2 : i32
        %mul3A_1991 = arith.muli %mul3A_1990, %scan3A_1972 : i32
        %add3A_1992 = vector.broadcast %mul3A_1991 : i32 to vector<16xi32>
        %add3A_1993 = arith.addi %broadcast_in_dim3A_1985, %add3A_1992 : vector<16xi32>
        %add3A_1994 = arith.constant 1 : i32
        %add3A_1995 = vector.broadcast %add3A_1994 : i32 to vector<16xi32>
        %add3A_1996 = arith.addi %add3A_1993, %add3A_1995 : vector<16xi32>
        tpu.vector_store_idx %arg8[%add3A_1825, %add3A_1996], %bitcast3A_1983 : memref<512x64xf32, #tpu.memory_space<vmem>>[vector<16xi32>, vector<16xi32>], vector<16xf32>,
        %scan3A_1997 = arith.constant 0 : i32
        %scan3A_1998 = arith.constant 6 : i32
        %scan3A_1999 = arith.addi %scan3A_1839, %scan3A_1998 : i32
        %add3A_2000 = vector.broadcast %scan3A_1999 : i32 to vector<16xi32>
        %add3A_2001 = arith.addi %shift_left3A_1830, %add3A_2000 : vector<16xi32>
        %gather3A_2002 = tpu.vector_load_idx %arg7[%add3A_1825, %add3A_2001] : memref<512x128xi32, #tpu.memory_space<vmem>>[vector<16xi32>, vector<16xi32>], vector<16xi32>,
        %shift_left3A_2003 = arith.constant 16 : i32
        %shift_left3A_2004 = vector.broadcast %shift_left3A_2003 : i32 to vector<16xi32>
        %shift_left3A_2005 = arith.shli %gather3A_2002, %shift_left3A_2004 : vector<16xi32>
        %bitcast3A_2006 = vector.bitcast %shift_left3A_2005 : vector<16xi32> to vector<16xf32>
        %and3A_2007 = arith.constant -65536 : i32
        %and3A_2008 = vector.broadcast %and3A_2007 : i32 to vector<16xi32>
        %and3A_2009 = arith.andi %gather3A_2002, %and3A_2008 : vector<16xi32>
        %bitcast3A_2010 = vector.bitcast %and3A_2009 : vector<16xi32> to vector<16xf32>
        %broadcast_in_dim3A_2011 = arith.constant 0 : i32
        %broadcast_in_dim3A_2012 = vector.broadcast %broadcast_in_dim3A_2011 : i32 to vector<16xi32>
        %mul3A_2013 = arith.constant 2 : i32
        %mul3A_2014 = arith.muli %mul3A_2013, %scan3A_1999 : i32
        %add3A_2015 = vector.broadcast %mul3A_2014 : i32 to vector<16xi32>
        %add3A_2016 = arith.addi %broadcast_in_dim3A_2012, %add3A_2015 : vector<16xi32>
        tpu.vector_store_idx %arg8[%add3A_1825, %add3A_2016], %bitcast3A_2006 : memref<512x64xf32, #tpu.memory_space<vmem>>[vector<16xi32>, vector<16xi32>], vector<16xf32>,
        %mul3A_2017 = arith.constant 2 : i32
        %mul3A_2018 = arith.muli %mul3A_2017, %scan3A_1999 : i32
        %add3A_2019 = vector.broadcast %mul3A_2018 : i32 to vector<16xi32>
        %add3A_2020 = arith.addi %broadcast_in_dim3A_2012, %add3A_2019 : vector<16xi32>
        %add3A_2021 = arith.constant 1 : i32
        %add3A_2022 = vector.broadcast %add3A_2021 : i32 to vector<16xi32>
        %add3A_2023 = arith.addi %add3A_2020, %add3A_2022 : vector<16xi32>
        tpu.vector_store_idx %arg8[%add3A_1825, %add3A_2023], %bitcast3A_2010 : memref<512x64xf32, #tpu.memory_space<vmem>>[vector<16xi32>, vector<16xi32>], vector<16xf32>,
        %scan3A_2024 = arith.constant 0 : i32
        %scan3A_2025 = arith.constant 7 : i32
        %scan3A_2026 = arith.addi %scan3A_1839, %scan3A_2025 : i32
        %add3A_2027 = vector.broadcast %scan3A_2026 : i32 to vector<16xi32>
        %add3A_2028 = arith.addi %shift_left3A_1830, %add3A_2027 : vector<16xi32>
        %gather3A_2029 = tpu.vector_load_idx %arg7[%add3A_1825, %add3A_2028] : memref<512x128xi32, #tpu.memory_space<vmem>>[vector<16xi32>, vector<16xi32>], vector<16xi32>,
        %shift_left3A_2030 = arith.constant 16 : i32
        %shift_left3A_2031 = vector.broadcast %shift_left3A_2030 : i32 to vector<16xi32>
        %shift_left3A_2032 = arith.shli %gather3A_2029, %shift_left3A_2031 : vector<16xi32>
        %bitcast3A_2033 = vector.bitcast %shift_left3A_2032 : vector<16xi32> to vector<16xf32>
        %and3A_2034 = arith.constant -65536 : i32
        %and3A_2035 = vector.broadcast %and3A_2034 : i32 to vector<16xi32>
        %and3A_2036 = arith.andi %gather3A_2029, %and3A_2035 : vector<16xi32>
        %bitcast3A_2037 = vector.bitcast %and3A_2036 : vector<16xi32> to vector<16xf32>
        %broadcast_in_dim3A_2038 = arith.constant 0 : i32
        %broadcast_in_dim3A_2039 = vector.broadcast %broadcast_in_dim3A_2038 : i32 to vector<16xi32>
        %mul3A_2040 = arith.constant 2 : i32
        %mul3A_2041 = arith.muli %mul3A_2040, %scan3A_2026 : i32
        %add3A_2042 = vector.broadcast %mul3A_2041 : i32 to vector<16xi32>
        %add3A_2043 = arith.addi %broadcast_in_dim3A_2039, %add3A_2042 : vector<16xi32>
        tpu.vector_store_idx %arg8[%add3A_1825, %add3A_2043], %bitcast3A_2033 : memref<512x64xf32, #tpu.memory_space<vmem>>[vector<16xi32>, vector<16xi32>], vector<16xf32>,
        %mul3A_2044 = arith.constant 2 : i32
        %mul3A_2045 = arith.muli %mul3A_2044, %scan3A_2026 : i32
        %add3A_2046 = vector.broadcast %mul3A_2045 : i32 to vector<16xi32>
        %add3A_2047 = arith.addi %broadcast_in_dim3A_2039, %add3A_2046 : vector<16xi32>
        %add3A_2048 = arith.constant 1 : i32
        %add3A_2049 = vector.broadcast %add3A_2048 : i32 to vector<16xi32>
        %add3A_2050 = arith.addi %add3A_2047, %add3A_2049 : vector<16xi32>
        tpu.vector_store_idx %arg8[%add3A_1825, %add3A_2050], %bitcast3A_2037 : memref<512x64xf32, #tpu.memory_space<vmem>>[vector<16xi32>, vector<16xi32>], vector<16xf32>,
        %scan3A_2051 = arith.constant 0 : i32
        scf.yield %scan3A_2051 : i32
      }
      %scan3A_1837 = arith.constant 32 : i32
      %scan3A_1838 = arith.constant 0 : i32
      scf.yield %scan3A_1838 : i32
    }
    %scan3A_1773 = arith.constant 32 : i32
    "tpu.region"() ({
      %run_scoped3A = tpu.sem_alloc : memref<!tpu.dma_semaphore, #tpu.memory_space<semaphore_mem>>
      %dma_start3A_1774 = arith.constant 0 : i32
      %dma_start3A_1775 = tpu.memref_slice %arg4[%mul3A_2, %dma_start3A_1774] : memref<16384x64xf32, #tpu.memory_space<hbm>> -> memref<512x64xf32, #tpu.memory_space<hbm>>
      %dma_start3A_1776 = arith.constant 0 : i32
      %dma_start3A_1777 = tpu.memref_slice %arg4[%mul3A_2, %dma_start3A_1776] : memref<16384x64xf32, #tpu.memory_space<hbm>> -> memref<512x64xf32, #tpu.memory_space<hbm>>
      tpu.enqueue_dma source(%arg8 : memref<512x64xf32, #tpu.memory_space<vmem>>) target(%dma_start3A_1777 : memref<512x64xf32, #tpu.memory_space<hbm>>) target_semaphore(%run_scoped3A : memref<!tpu.dma_semaphore, #tpu.memory_space<semaphore_mem>>)
      %dma_wait3A_1778 = arith.constant 0 : i32
      %dma_wait3A_1779 = tpu.memref_slice %arg4[%mul3A_2, %dma_wait3A_1778] : memref<16384x64xf32, #tpu.memory_space<hbm>> -> memref<512x64xf32, #tpu.memory_space<hbm>>
      %dma_wait3A_1780 = arith.constant 0 : i32
      %dma_wait3A_1781 = tpu.memref_slice %arg4[%mul3A_2, %dma_wait3A_1780] : memref<16384x64xf32, #tpu.memory_space<hbm>> -> memref<512x64xf32, #tpu.memory_space<hbm>>
      tpu.wait_dma2 semaphore(%run_scoped3A : memref<!tpu.dma_semaphore, #tpu.memory_space<semaphore_mem>>) src(%arg8 : memref<512x64xf32, #tpu.memory_space<vmem>>) dst(%dma_wait3A_1781 : memref<512x64xf32, #tpu.memory_space<hbm>>)
      tpu.yield
    }) : () -> ()
    return
  }
}

module attributes {stable_mosaic.version = 14 : i64} {
  func.func @body(%arg0: i32, %arg1: memref<64x8192xbf16, #tpu.memory_space<vmem>>, %arg2: memref<2048x128xi32, #tpu.memory_space<vmem>>) attributes {dimension_semantics = [#tpu.dimension_semantics<arbitrary>], iteration_bounds = array<i64: 123>, scalar_prefetch = 0 : i64, scratch_operands = 0 : i64, tpu.core_type = #tpu.core_type<tc>, window_params = [{transform_indices = @transform_0, window_bounds = array<i64: 64, 8192>}, {transform_indices = @transform_1, window_bounds = array<i64: 2048, 128>}]} {
    %iota3A = tpu.iota {dimensions = array<i32: 1>} : vector<64x32xi32>
    %iota3A_0 = tpu.iota {dimensions = array<i32: 0>} : vector<64x32xi32>
    %mul3A = arith.constant 2 : i32
    %mul3A_1 = vector.broadcast %mul3A : i32 to vector<64x32xi32>
    %mul3A_2 = arith.muli %mul3A_1, %iota3A : vector<64x32xi32>
    %eq3A = arith.cmpi eq, %iota3A_0, %mul3A_2 : vector<64x32xi32>
    %convert_element_type3A = arith.extui %eq3A : vector<64x32xi1> to vector<64x32xi32>
    %convert_element_type3A_3 = arith.sitofp %convert_element_type3A : vector<64x32xi32> to vector<64x32xf32>
    %convert_element_type3A_4 = arith.truncf %convert_element_type3A_3 : vector<64x32xf32> to vector<64x32xbf16>
    %mul3A_5 = arith.constant 2 : i32
    %mul3A_6 = vector.broadcast %mul3A_5 : i32 to vector<64x32xi32>
    %mul3A_7 = arith.muli %mul3A_6, %iota3A : vector<64x32xi32>
    %add3A = arith.constant 1 : i32
    %add3A_8 = vector.broadcast %add3A : i32 to vector<64x32xi32>
    %add3A_9 = arith.addi %mul3A_7, %add3A_8 : vector<64x32xi32>
    %eq3A_10 = arith.cmpi eq, %iota3A_0, %add3A_9 : vector<64x32xi32>
    %convert_element_type3A_11 = arith.extui %eq3A_10 : vector<64x32xi1> to vector<64x32xi32>
    %convert_element_type3A_12 = arith.sitofp %convert_element_type3A_11 : vector<64x32xi32> to vector<64x32xf32>
    %convert_element_type3A_13 = arith.truncf %convert_element_type3A_12 : vector<64x32xf32> to vector<64x32xbf16>
    %get3A = arith.constant 0 : index
    %get3A_14 = arith.constant 0 : index
    %get3A_15 = vector.load %arg1[%get3A, %get3A_14] : memref<64x8192xbf16, #tpu.memory_space<vmem>>, vector<64x8192xbf16>
    %dot_general3A = arith.constant dense<0.000000e+00> : vector<8192x32xf32>
    %dot_general3A_16 = tpu.matmul %get3A_15, %convert_element_type3A_4, %dot_general3A {dimension_numbers = #tpu.dot_dimension_numbers<[0], [0], [1], [1], [0, 1, 1, 1], [], []>, transpose_lhs_hint = false} : vector<64x8192xbf16>, vector<64x32xbf16>, vector<8192x32xf32> -> vector<8192x32xf32>
    %dot_general3A_17 = arith.constant dense<0.000000e+00> : vector<8192x32xf32>
    %dot_general3A_18 = tpu.matmul %get3A_15, %convert_element_type3A_13, %dot_general3A_17 {dimension_numbers = #tpu.dot_dimension_numbers<[0], [0], [1], [1], [0, 1, 1, 1], [], []>, transpose_lhs_hint = false} : vector<64x8192xbf16>, vector<64x32xbf16>, vector<8192x32xf32> -> vector<8192x32xf32>
    %bitcast_convert_type3A = tpu.bitcast %dot_general3A_16 : vector<8192x32xf32> -> vector<8192x32xi32>
    %bitcast_convert_type3A_19 = tpu.bitcast %dot_general3A_18 : vector<8192x32xf32> -> vector<8192x32xi32>
    %shift_right_logical3A = arith.constant 16 : i32
    %shift_right_logical3A_20 = vector.broadcast %shift_right_logical3A : i32 to vector<8192x32xi32>
    %shift_right_logical3A_21 = arith.shrui %bitcast_convert_type3A, %shift_right_logical3A_20 : vector<8192x32xi32>
    %and3A = arith.constant -65536 : i32
    %and3A_22 = vector.broadcast %and3A : i32 to vector<8192x32xi32>
    %and3A_23 = arith.andi %bitcast_convert_type3A_19, %and3A_22 : vector<8192x32xi32>
    %or3A = arith.ori %shift_right_logical3A_21, %and3A_23 : vector<8192x32xi32>
    %reshape3A = vector.shape_cast %or3A : vector<8192x32xi32> to vector<2048x4x32xi32>
    %slice3A = vector.extract_strided_slice %reshape3A {offsets = [0, 0, 0], sizes = [2048, 1, 32], strides = [1, 1, 1]} : vector<2048x4x32xi32> to vector<2048x1x32xi32>
    %squeeze3A = vector.shape_cast %slice3A : vector<2048x1x32xi32> to vector<2048x32xi32>
    %slice3A_24 = vector.extract_strided_slice %reshape3A {offsets = [0, 1, 0], sizes = [2048, 1, 32], strides = [1, 1, 1]} : vector<2048x4x32xi32> to vector<2048x1x32xi32>
    %squeeze3A_25 = vector.shape_cast %slice3A_24 : vector<2048x1x32xi32> to vector<2048x32xi32>
    %slice3A_26 = vector.extract_strided_slice %reshape3A {offsets = [0, 2, 0], sizes = [2048, 1, 32], strides = [1, 1, 1]} : vector<2048x4x32xi32> to vector<2048x1x32xi32>
    %squeeze3A_27 = vector.shape_cast %slice3A_26 : vector<2048x1x32xi32> to vector<2048x32xi32>
    %slice3A_28 = vector.extract_strided_slice %reshape3A {offsets = [0, 3, 0], sizes = [2048, 1, 32], strides = [1, 1, 1]} : vector<2048x4x32xi32> to vector<2048x1x32xi32>
    %squeeze3A_29 = vector.shape_cast %slice3A_28 : vector<2048x1x32xi32> to vector<2048x32xi32>
    %concatenate3A = tpu.concatenate %squeeze3A, %squeeze3A_25, %squeeze3A_27, %squeeze3A_29 in 1 : vector<2048x32xi32>, vector<2048x32xi32>, vector<2048x32xi32>, vector<2048x32xi32> -> vector<2048x128xi32>
    %swap3A = arith.constant 0 : index
    %swap3A_30 = arith.constant 0 : index
    %swap3A_31 = vector.load %arg2[%swap3A, %swap3A_30] : memref<2048x128xi32, #tpu.memory_space<vmem>>, vector<2048x128xi32>
    tpu.vector_store %arg2[%swap3A, %swap3A_30], %concatenate3A {strides = array<i32>} : memref<2048x128xi32, #tpu.memory_space<vmem>>, vector<2048x128xi32>,
    return
  }
  func.func @transform_0(%arg0: i32) -> (i32, i32) {
    %c0_i32 = arith.constant 0 : i32
    %c0_i32_0 = arith.constant 0 : i32
    return %c0_i32, %arg0 : i32, i32
  }
  func.func @transform_1(%arg0: i32) -> (i32, i32) {
    %c0_i32 = arith.constant 0 : i32
    %c0_i32_0 = arith.constant 0 : i32
    return %arg0, %c0_i32 : i32, i32
  }
}

</mosaic_0001>

<sc_bundles>
// kernel: kernel.4.cloned.1.call-start
scs
__scs_entry_jumppad:
0x0: {  	(pc) =	sbr.rel $0x88, $3  }
0x1: {  	(tag) =	ssettag $0x0;
	lr =	simm.s32 $0x1  }
0x2: {  	[smem:$0x3F9F] =	sst lr;
	_ =	strace $0xD0000000  }
0x3: {  	_ = 	snop  }
0x4: {  	_ = 	snop  }
0x5: {  	_ = 	snop  }
0x6: {  	_ = 	snop  }
0x7: {  	_ = 	snop  }
__scs_overlays_trampoline_lowered:
0x8: {  	[smem:$0x3FAE] =	sst s0  }
0x9: {  	[smem:$0x3FAF] =	sst s1  }
0xa: {  	[smem:$0x3FB0] =	sst s2  }
0xb: {  	[smem:$0x3FB1] =	sst s3  }
0xc: {  	[smem:$0x3FB2] =	sst s4  }
0xd: {  	[smem:$0x3FB3] =	sst s5  }
0xe: {  	[smem:$0x3FB4] =	sst s6  }
0xf: {  	[smem:$0x3FB5] =	sst s7  }
0x10: {  	[smem:$0x3FB6] =	sst s8  }
0x11: {  	[smem:$0x3FB7] =	sst s9;
	s0 =	simm.s32 @!p0 $0x0  }
0x12: {  	s1 =	sld [smem:$0x3F9D];
	s0 =	simm.s32 @p0 $0x1  }
0x13: {  	[smem:$0x3FB8] =	sst s0;
	s0 =	simm.s32 @!p1 $0x0  }
0x14: {  	s2 =	sld [smem:$0x3F9C];
	s0 =	simm.s32 @p1 $0x1  }
0x15: {  	[smem:$0x3FB9] =	sst s0;
	s0 =	simm.s32 @!p2 $0x0  }
0x16: {  	s3 =	sld [smem:$0x3FDB];
	s0 =	simm.s32 @p2 $0x1  }
0x17: {  	s4 =	simm.s32 $0x1BF5;
	[smem:$0x3FBB] =	sst s0  }
0x18: {  	s0 =	sld [smem:$0x3F9E];
	_ =	swait.ge [sflag:s4], $0x0  }
0x19: {  	s7 =	sld [smem:$0x3F9F]  }
0x1a: {  	s8 =	sadd.s32 $0xFFFFE003, lr  }
0x1b: {  	s9 =	sadd.s32 $0xFFFFFEF7, lr;
	s5 =	simm.s32 $0xFFFFFFFF;
	p2 =	slt.u32 s8, $0xFFFFF086  }
0x1c: {  	p1 =	slt.u32 s9, $0xF7A;
	s5 =	simm.s32 @!p2 $0x0  }
0x1d: {  	s5 =	simm.s32 @p1 $0x1;
	p0 =	seq.s32 s7, s2  }
0x1e: {  	s7 =	smul.u32 @!p0 $0xF7A, s2;
	p2 =	seq.s32 @!p0 s5, $0x0  }
0x1f: {  	s9 =	smul.u32 $0xF7A, s1;
	s8 =	simm.s32 @!p0 $0x1BF5;
	p2 =	por !p2, p0  }
0x20: {  	[sflag:s8] =	ssyncset.s32 @!p0 $0xFFFFF086;
	s6 =	sadd.s32 @!p0 s3, s7;
	s7 =	simm.s32 @!p0 $0x108  }
0x21: {  	s3 =	sadd.s32 s3, s9;
	s6 =	sadd.s32 @!p0 $0x88, s6;
	s7 =	simm.s32 @p2 $0x1082  }
0x22: {  	[simem:s7], [sflag:s8] =	dma.local @!p0 [hbm:s6], $0xF7A  }
0x23: {  	s9 =	sor.u32 $0xD0000000, s2;
	s6 =	simm.s32 $0x108;
	_ =	swait.ge @!p0 [sflag:s8], $0x0  }
0x24: {  	s3 =	sadd.s32 $0x88, s3;
	s6 =	simm.s32 @!p1 $0x1082;
	[sflag:s4] =	ssyncset.s32 $0xFFFFF086  }
0x25: {  	[simem:s6], [sflag:s4] =	dma.local [hbm:s3], $0xF7A  }
0x26: {  	[smem:$0x3F9F] =	sst s1;
	(tag) =	ssettag s2;
	_ =	strace s9  }
0x27: {  	s1 =	sld [smem:$0x3FAF]  }
0x28: {  	s2 =	sld [smem:$0x3FB0]  }
0x29: {  	s4 =	sld [smem:$0x3FB2]  }
0x2a: {  	p0 =	seq.s32 s5, $0x0;
	s5 =	sld [smem:$0x3FB3]  }
0x2b: {  	s6 =	sld [smem:$0x3FB4]  }
0x2c: {  	s7 =	sld [smem:$0x3FB5]  }
0x2d: {  	s3 =	simm.s32 $0x108;
	s8 =	sld [smem:$0x3FB6]  }
0x2e: {  	s3 =	simm.s32 @!p0 $0x1082;
	s9 =	sld [smem:$0x3FB7]  }
0x2f: {  	lr =	sadd.s32 s0, s3;
	s0 =	sld [smem:$0x3FAE]  }
0x30: {  	s3 =	sld [smem:$0x3FB1]  }
0x31: {  	[smem:$0x3FBA] =	sst s10  }
0x32: {  	s10 =	sld [smem:$0x3FB8];
	_ =	sdelay $0x3  }
0x33: {  	p0 =	seq.s32 s10, $0x1;
	s10 =	sld [smem:$0x3FBA];
	_ =	sdelay $0x3  }
0x34: {  	[smem:$0x3FBA] =	sst s10  }
0x35: {  	s10 =	sld [smem:$0x3FB9];
	_ =	sdelay $0x3  }
0x36: {  	p1 =	seq.s32 s10, $0x1;
	s10 =	sld [smem:$0x3FBA];
	_ =	sdelay $0x3  }
0x37: {  	[smem:$0x3FBA] =	sst s10  }
0x38: {  	s10 =	sld [smem:$0x3FBB]  }
0x39: {  	_ = 	snop;
	(pc) =	sbr.ind lr, $3  }
0x3a: {  	_ = 	snop  }
0x3b: {  	_ = 	snop  }
0x3c: {  	p2 =	seq.s32 s10, $0x1;
	s10 =	sld [smem:$0x3FBA]  }
0x3d: {  	_ =	shalt  }
0x3e: {  	_ =	shalt  }
0x3f: {  	_ =	shalt  }
0x40: {  	_ =	shalt  }
0x41: {  	_ =	shalt  }
0x42: {  	_ =	shalt  }
0x43: {  	_ =	shalt  }
0x44: {  	_ =	shalt  }
0x45: {  	_ =	shalt  }
0x46: {  	_ =	shalt  }
0x47: {  	_ =	shalt  }
0x48: {  	_ =	shalt  }
0x49: {  	_ =	shalt  }
0x4a: {  	_ =	shalt  }
0x4b: {  	_ =	shalt  }
0x4c: {  	_ =	shalt  }
0x4d: {  	_ =	shalt  }
0x4e: {  	_ =	shalt  }
0x4f: {  	_ =	shalt  }
0x50: {  	_ =	shalt  }
0x51: {  	_ =	shalt  }
0x52: {  	_ =	shalt  }
0x53: {  	_ =	shalt  }
0x54: {  	_ =	shalt  }
0x55: {  	_ =	shalt  }
0x56: {  	_ =	shalt  }
0x57: {  	_ =	shalt  }
0x58: {  	_ =	shalt  }
0x59: {  	_ =	shalt  }
0x5a: {  	_ =	shalt  }
0x5b: {  	_ =	shalt  }
0x5c: {  	_ =	shalt  }
0x5d: {  	_ =	shalt  }
0x5e: {  	_ =	shalt  }
0x5f: {  	_ =	shalt  }
0x60: {  	_ =	shalt  }
0x61: {  	_ =	shalt  }
0x62: {  	_ =	shalt  }
0x63: {  	_ =	shalt  }
0x64: {  	_ =	shalt  }
0x65: {  	_ =	shalt  }
0x66: {  	_ =	shalt  }
0x67: {  	_ =	shalt  }
0x68: {  	_ =	shalt  }
0x69: {  	_ =	shalt  }
0x6a: {  	_ =	shalt  }
0x6b: {  	_ =	shalt  }
0x6c: {  	_ =	shalt  }
0x6d: {  	_ =	shalt  }
0x6e: {  	_ =	shalt  }
0x6f: {  	_ =	shalt  }
0x70: {  	_ =	shalt  }
0x71: {  	_ =	shalt  }
0x72: {  	_ =	shalt  }
0x73: {  	_ =	shalt  }
0x74: {  	_ =	shalt  }
0x75: {  	_ =	shalt  }
0x76: {  	_ =	shalt  }
0x77: {  	_ =	shalt  }
0x78: {  	_ =	shalt  }
0x79: {  	_ =	shalt  }
0x7a: {  	_ =	shalt  }
0x7b: {  	_ =	shalt  }
0x7c: {  	_ =	shalt  }
0x7d: {  	_ =	shalt  }
0x7e: {  	_ =	shalt  }
0x7f: {  	_ =	shalt  }
0x80: {  	_ =	shalt  }
0x81: {  	_ =	shalt  }
0x82: {  	_ =	shalt  }
0x83: {  	_ =	shalt  }
0x84: {  	_ =	shalt  }
0x85: {  	_ =	shalt  }
0x86: {  	_ =	shalt  }
0x87: {  	_ =	shalt  }
.Lfunc_end0:
.L_simem_size_0:
called_computation_lowered:
.L_overlay_start_0:
0x88: {  	s2 =	sld [smem:$0x3FD9]  }
0x89: {  	s3 =	sld [smem:$0x3FFE];
	_ =	sdelay $0x1  }
0x8a: {  	s1 =	srdreg.scid  }
0x8b: {  	s0 =	sand.u32 $0x1, s1  }
0x8c: {  	s17 =	sshll.u32 s0, $0xA;
	s2 =	sadd.s32 s3, s2  }
0x8d: {  	s2 =	sadd.s32 s2, s17  }
0x8e: {  	[smem:$0x3FC6] =	sst s2  }
0x8f: {  	_ = 	snop  }
0x90: {  	s2 =	sld [smem:$0x3FD0];
	(tm) =	ssettm $0x1  }
0x91: {  	s18 =	sld [smem:$0x3FFB];
	_ =	sdelay $0x3  }
0x92: {  	_ =	strace s18  }
0x93: {  	s3 =	sld [smem:$0x3FFC];
	_ =	sdelay $0x3  }
0x94: {  	_ =	strace s3  }
0x95: {  	s3 =	sld [smem:$0x3FFD];
	_ =	sdelay $0x3  }
0x96: {  	_ =	strace s3  }
0x97: {  	_ =	strace $0x8FFFFFFF  }
0x98: {  	s19 =	sld [smem:$0x3FDB];
	_ =	sdelay $0x1  }
0x99: {  	s4 =	simm.s32 $_scs_section_size  }
0x9a: {  	s5 =	simm.s32 $_size__tile_overlayer_lowered;
	s6 =	simm.s32 $_tile_overlayer_lowered  }
0x9b: {  	s22 =	simm.s32 $0x1BFF;
	s21 =	sshll.u32 s6, $0x1;
	s3 =	sadd.s32 s4, s19  }
0x9c: {  	s7 =	simm.s32 $0x0;
	s20 =	sshll.u32 s5, $0x1;
	s5 =	sadd.s32 s21, s3  }
0x9d: {  	[timem:s7], [sflag:s22] =	dma.local [hbm:s5], s20  }
0x9e: {  	_ =	swait.ge [sflag:s22], s20  }
0x9f: {  	s4 =	ssub.s32 $0x0, s20;
	[sflag:s22] =	ssyncset.done $0x0  }
0xa0: {  	[sflag:s22] =	ssyncadd.s32 s4;
	_ =	sdelay $0x1  }
0xa1: {  	s23 =	simm.s32 $0x1B8B  }
0xa2: {  	_ =	swait.ge [sflag:s23], $0x1  }
0xa3: {  	[sflag:s23] =	ssyncset.done $0x0  }
0xa4: {  	s25 =	simm.s32 $0x1B8E;
	s24 =	sld [smem:$0x3FFE];
	[sflag:s23] =	ssyncadd.s32 $0xFFFFFFFF  }
0xa5: {  	s26 =	simm.s32 $execute0_lowered;
	[smem:$0x3FD2] =	sst s25  }
0xa6: {  	s5 =	sshll.u32 s26, $0x1;
	_ =	strace $0x80000046;
	[dreg:$0x1] =	wrdreg $0xFFFFFFFF  }
0xa7: {  	s28 =	simm.s32 $_size_execute0_lowered;
	s3 =	sadd.s32 s3, s5;
	[dreg:$0x0] =	wrdreg $0x0  }
0xa8: {  	s5 =	sshll.u32 s28, $0x1;
	[dreg:$0x2] =	wrdreg s3  }
0xa9: {  	[dreg:$0x3] =	wrdreg s5  }
0xaa: {  	[dreg:$0x4] =	wrdreg $0xC0  }
0xab: {  	_ =	task [dreg:s7], $0x5FFFF  }
0xac: {  	[dreg:$0x1] =	wrdreg $0xFFFFFFFF  }
0xad: {  	[dreg:$0x0] =	wrdreg $0x60  }
0xae: {  	[dreg:$0x2] =	wrdreg s24  }
0xaf: {  	[dreg:$0x3] =	wrdreg s2  }
0xb0: {  	[dreg:$0x4] =	wrdreg $0x9  }
0xb1: {  	_ =	task.clear_ibuf [dreg:s7], $0x5FFFF;
	_ =	strace $0x90000046  }
0xb2: {  	s29 =	simm.s32 $0x9;
	_ =	strace $0x80000048  }
0xb3: {  	_ =	swait.ge [sflag:s29], $0x1  }
0xb4: {  	[sflag:s29] =	ssyncadd.s32 $0xFFFFFFFF  }
0xb5: {  	_ =	strace $0x90000048  }
0xb6: {  	_ =	sfence  }
0xb7: {  	s30 =	sld [smem:$0x0];
	_ =	sdelay $0x2  }
0xb8: {  	s31 =	sshll.u32 s1, $0xD;
	s1 =	sshrl.u32 s1, $0x2  }
0xb9: {  	s3 =	sand.u32 $0x4000, s31;
	s1 =	sadd.s32 s1, s30  }
0xba: {  	s0 =	sor.u32 s3, s0;
	s1 =	sshll.u32 s1, $0x11  }
0xbb: {  	s0 =	sor.u32 s1, s0  }
0xbc: {  	s0 =	sadd.s32 $0x8F2B, s0  }
0xbd: {  	[sflag:s0] =	ssyncadd.remote.s32 $0x1  }
0xbe: {  	_ =	sfence.sel $0xFFFF  }
0xbf: {  	[dreg:$0x0] =	wrdreg $0xFFFFFFFF;
	(pc) =	sbr.abs _section_cstart, $3  }
0xc0: {  	[dreg:$0x1] =	wrdreg $0xFFFFFFFF  }
0xc1: {  	_ =	task.clear_ibuf [dreg:s7], $0x2FFFF;
	_ =	strace $0x9FFFFFFF  }
0xc2: {  	(tm) =	ssettm $0x7FFFFFFF  }
0xc3: {  	_ =	shalt  }
tec
execute0_lowered:
.L_overlay_start_1:
0x0: {  	(tag) =	ssettag $0x1  }
0x1: {  	s3 =	rddreg [dreg:$0x0]  }
0x2: {  	s5 =	rddreg [dreg:$0x1]  }
0x3: {  	s0 =	rddreg [dreg:$0x2];
	s4 =	srdreg.scid  }
0x4: {  	s1 =	stileid.u32;
	s2 =	simm.s32 $0x0;
	s9 =	simm.s32 $0x200  }
0x5: {  	s10 =	simm.s32 $0x400;
	s11 =	simm.s32 $0x280;
	s12 =	simm.s32 $0x4400  }
0x6: {  	s13 =	simm.s32 $0x300;
	s14 =	simm.s32 $0x8400;
	s15 =	simm.s32 $0x380  }
0x7: {  	s16 =	simm.s32 $0xC400;
	s17 =	simm.s32 $0x1;
	s18 =	simm.s32 $0x10400  }
0x8: {  	s19 =	simm.s32 $0x0;
	s4 =	sand.u32 $0x1, s4;
	s6 =	sshll.u32 s1, $0x1  }
0x9: {  	[smem:$0x7FF] =	sst s2;
	s6 =	sor.u32 s4, s6;
	s4 =	ssub.s32 $0x2, s4  }
0xa: {  	_ =	strace $0x80000047;
	s7 =	sshll.u32 s6, $0x6;
	s8 =	sshrl.u32 s4, $0x1  }
0xb: {  	s6 =	sshll.u32 s6, $0xC;
	s7 =	sadd.s32 s7, s3;
	s3 =	sadd.s32 $0xC00, s3  }
0xc: {  	s8 =	ssub.s32 s4, s8;
	s5 =	sadd.s32 s5, s6;
	s4 =	sadd.s32 $0x400, s7  }
0xd: {  	v0 =	vlaneseq.u32;
	s6 =	smax.u32 s8, $0x1;
	s7 =	simm.s32 $0x2;
	s8 =	simm.s32 $0x80  }
.LBB2_1:
0xe: {  	[tilespmem:s2], [sflag:$0x2] =	stream.linear.gather [hbm4b:s4+s2], $0x200, $0x38;
	[tilespmem:$0x18400] =	vst v63  }
0xf: {  	_ =	swait.ge [sflag:s7], $0x200  }
0x10: {  	[sflag:s7] =	ssyncset.done $0x0  }
0x11: {  	[sflag:s7] =	ssyncadd.s32 $0xFFFFFE00  }
0x12: {  	v1 =	vld [tilespmem:$0x0]  }
0x13: {  	v2 =	vld [tilespmem:$0x10]  }
0x14: {  	v3 =	vld [tilespmem:$0x20]  }
0x15: {  	v4 =	vld [tilespmem:$0x30]  }
0x16: {  	v5 =	vld [tilespmem:$0x40]  }
0x17: {  	v6 =	vld [tilespmem:$0x50];
	v1 =	vshrl.u32 v1, $0x2  }
0x18: {  	[tilespmem:$0x200] =	vst v1;
	v1 =	vshrl.u32 v2, $0x2;
	v2 =	vld [tilespmem:$0x60]  }
0x19: {  	[tilespmem:$0x210] =	vst v1;
	v1 =	vshrl.u32 v3, $0x2;
	v3 =	vld [tilespmem:$0x70]  }
0x1a: {  	v49 =	vld [tilespmem:$0x80];
	[tilespmem:$0x220] =	vst v1;
	v1 =	vshrl.u32 v4, $0x2  }
0x1b: {  	v50 =	vld [tilespmem:$0x90];
	[tilespmem:$0x230] =	vst v1;
	v1 =	vshrl.u32 v5, $0x2  }
0x1c: {  	v51 =	vld [tilespmem:$0xA0];
	[tilespmem:$0x240] =	vst v1;
	v1 =	vshrl.u32 v6, $0x2  }
0x1d: {  	[tilespmem:$0x250] =	vst v1;
	v1 =	vshrl.u32 v2, $0x2;
	v2 =	vld [tilespmem:$0xB0]  }
0x1e: {  	[tilespmem:$0x260] =	vst v1;
	v1 =	vshrl.u32 v3, $0x2;
	v3 =	vld [tilespmem:$0xC0]  }
0x1f: {  	v52 =	vld [tilespmem:$0xD0];
	[tilespmem:$0x270] =	vst v1;
	v1 =	vshrl.u32 v49, $0x2  }
0x20: {  	v53 =	vld [tilespmem:$0xE0];
	[tilespmem:$0x280] =	vst v1;
	v1 =	vshrl.u32 v50, $0x2  }
0x21: {  	v54 =	vld [tilespmem:$0xF0];
	[tilespmem:$0x290] =	vst v1;
	v1 =	vshrl.u32 v51, $0x2  }
0x22: {  	[tilespmem:$0x2A0] =	vst v1;
	v1 =	vshrl.u32 v2, $0x2;
	v2 =	vld [tilespmem:$0x100]  }
0x23: {  	[tilespmem:$0x2B0] =	vst v1;
	v1 =	vshrl.u32 v3, $0x2;
	v3 =	vld [tilespmem:$0x110]  }
0x24: {  	v55 =	vld [tilespmem:$0x120];
	[tilespmem:$0x2C0] =	vst v1;
	v1 =	vshrl.u32 v52, $0x2  }
0x25: {  	v56 =	vld [tilespmem:$0x130];
	[tilespmem:$0x2D0] =	vst v1;
	v1 =	vshrl.u32 v53, $0x2  }
0x26: {  	v57 =	vld [tilespmem:$0x140];
	[tilespmem:$0x2E0] =	vst v1;
	v1 =	vshrl.u32 v54, $0x2  }
0x27: {  	[tilespmem:$0x2F0] =	vst v1;
	v1 =	vshrl.u32 v2, $0x2;
	v2 =	vld [tilespmem:$0x150]  }
0x28: {  	[tilespmem:$0x300] =	vst v1;
	v1 =	vshrl.u32 v3, $0x2;
	v3 =	vld [tilespmem:$0x160]  }
0x29: {  	v58 =	vld [tilespmem:$0x170];
	[tilespmem:$0x310] =	vst v1;
	v1 =	vshrl.u32 v55, $0x2  }
0x2a: {  	v59 =	vld [tilespmem:$0x180];
	[tilespmem:$0x320] =	vst v1;
	v1 =	vshrl.u32 v56, $0x2  }
0x2b: {  	v60 =	vld [tilespmem:$0x190];
	[tilespmem:$0x330] =	vst v1;
	v1 =	vshrl.u32 v57, $0x2  }
0x2c: {  	[tilespmem:$0x340] =	vst v1;
	v1 =	vshrl.u32 v2, $0x2;
	v2 =	vld [tilespmem:$0x1A0]  }
0x2d: {  	[tilespmem:$0x350] =	vst v1;
	v1 =	vshrl.u32 v3, $0x2;
	v3 =	vld [tilespmem:$0x1B0]  }
0x2e: {  	v61 =	vld [tilespmem:$0x1C0];
	[tilespmem:$0x360] =	vst v1;
	v1 =	vshrl.u32 v58, $0x2  }
0x2f: {  	v62 =	vld [tilespmem:$0x1D0];
	[tilespmem:$0x370] =	vst v1;
	v1 =	vshrl.u32 v59, $0x2  }
0x30: {  	v63 =	vld [tilespmem:$0x1E0];
	[tilespmem:$0x380] =	vst v1;
	v1 =	vshrl.u32 v60, $0x2  }
0x31: {  	[tilespmem:$0x390] =	vst v1;
	v1 =	vshrl.u32 v2, $0x2;
	v2 =	vld [tilespmem:$0x1F0]  }
0x32: {  	[tilespmem:$0x3A0] =	vst v1;
	v1 =	vshrl.u32 v3, $0x2  }
0x33: {  	[tilespmem:$0x3B0] =	vst v1;
	v1 =	vshrl.u32 v61, $0x2  }
0x34: {  	[tilespmem:$0x3C0] =	vst v1;
	v1 =	vshrl.u32 v62, $0x2  }
0x35: {  	[tilespmem:$0x3D0] =	vst v1;
	v1 =	vshrl.u32 v63, $0x2  }
0x36: {  	[tilespmem:$0x3E0] =	vst v1;
	v1 =	vshrl.u32 v2, $0x2  }
0x37: {  	[tilespmem:$0x3F0] =	vst v1  }
0x38: {  	[tilespmem:s10], [sflag:$0x1] =	stream.indirect.gather [hbm4b:s3+s8], $0x80, s9, s8, $0xb8;
	[tilespmem:$0x18400] =	vst v63  }
0x39: {  	_ = 	snop  }
0x3a: {  	[tilespmem:s12], [sflag:$0x1] =	stream.indirect.gather [hbm4b:s3+s8], $0x80, s11, s8, $0xb8;
	[tilespmem:$0x18400] =	vst v63  }
0x3b: {  	_ = 	snop  }
0x3c: {  	[tilespmem:s14], [sflag:$0x1] =	stream.indirect.gather [hbm4b:s3+s8], $0x80, s13, s8, $0xb8;
	[tilespmem:$0x18400] =	vst v63  }
0x3d: {  	_ = 	snop  }
0x3e: {  	[tilespmem:s16], [sflag:$0x1] =	stream.indirect.gather [hbm4b:s3+s8], $0x80, s15, s8, $0xb8;
	[tilespmem:$0x18400] =	vst v63  }
0x3f: {  	_ =	swait.ge [sflag:s17], $0x4000  }
0x40: {  	[sflag:s17] =	ssyncset.done $0x0  }
0x41: {  	[sflag:s17] =	ssyncadd.s32 $0xFFFFC000  }
0x42: {  	_ =	swait.ge [sflag:s17], $0x4000  }
0x43: {  	[sflag:s17] =	ssyncset.done $0x0  }
0x44: {  	[sflag:s17] =	ssyncadd.s32 $0xFFFFC000  }
0x45: {  	_ =	swait.ge [sflag:s17], $0x4000  }
0x46: {  	[sflag:s17] =	ssyncset.done $0x0  }
0x47: {  	[sflag:s17] =	ssyncadd.s32 $0xFFFFC000  }
0x48: {  	_ =	swait.ge [sflag:s17], $0x4000  }
0x49: {  	[sflag:s17] =	ssyncset.done $0x0  }
0x4a: {  	s20 =	simm.s32 $0x0;
	[sflag:s17] =	ssyncadd.s32 $0xFFFFC000  }
.LBB2_2:
0x4b: {  	s21 =	sshll.u32 s20, $0x4  }
0x4c: {  	s22 =	sand.u32 $0x1F0, s21  }
0x4d: {  	v1 =	vld [tilespmem:s22+$0x0];
	_ =	sdelay $0x4  }
0x4e: {  	v2 =	vor.u32 s21, v0;
	v1 =	vshll.u32 v1, $0x5  }
0x4f: {  	v17 =	vshll.u32 v2, $0x7;
	v3 =	vand.u32 $0x60, v1  }
0x50: {  	s22 =	simm.s32 $0x0;
	v11 =	vor.u32 v17, v3  }
0x51: {  	v3 =	vor.u32 s22, v11;
	_ =	sdelay $0x4  }
0x52: {  	s23 =	simm.s32 $0x0;
	v6 =	vshll.u32 v2, $0x6;
	v2 =	vld.idx.msk [tilespmem:v3+s10+$0x0], $0xffff  }
0x53: {  	v7 =	vor.u32 $0x1, v6;
	v4 =	vor.u32 s22, v1;
	v3 =	vor.u32 s23, v6  }
0x54: {  	v10 =	vor.u32 $0x1, v17;
	v5 =	vor.u32 s23, v7;
	v14 =	vand.u32 $0x78, v4  }
0x55: {  	v4 =	vor.u32 v14, v10;
	_ =	sdelay $0x1  }
0x56: {  	v8 =	vmov s23;
	v9 =	vshll.u32 v2, $0x10  }
0x57: {  	v8 =	vand.u32 $0x30, v8;
	v2 =	vand.u32 $0xFFFF0000, v2;
	[tilespmem:v3+s18+$0x0] =	vst.idx.msk $0xffff, v9  }
0x58: {  	v15 =	vbroadcast v8, $0x0;
	[tilespmem:v5+s18+$0x0] =	vst.idx.msk $0xffff, v2  }
0x59: {  	v8 =	vor.u32 $0x2, v6;
	v2 =	vld.idx.msk [tilespmem:v4+s10+$0x0], $0xffff  }
0x5a: {  	v9 =	vor.u32 $0x3, v6;
	v3 =	vor.u32 v8, v15  }
0x5b: {  	v12 =	vor.u32 $0x2, v17;
	v4 =	vor.u32 v9, v15  }
0x5c: {  	v5 =	vor.u32 v14, v12;
	_ =	sdelay $0x1  }
0x5d: {  	v13 =	vshll.u32 v2, $0x10  }
0x5e: {  	v2 =	vand.u32 $0xFFFF0000, v2;
	[tilespmem:v3+s18+$0x0] =	vst.idx.msk $0xffff, v13  }
0x5f: {  	[tilespmem:v4+s18+$0x0] =	vst.idx.msk $0xffff, v2  }
0x60: {  	v3 =	vor.u32 $0x4, v6;
	v2 =	vld.idx.msk [tilespmem:v5+s10+$0x0], $0xffff  }
0x61: {  	v4 =	vor.u32 $0x5, v6;
	v5 =	vor.u32 v3, v15  }
0x62: {  	v13 =	vor.u32 $0x3, v17;
	v16 =	vor.u32 v4, v15  }
0x63: {  	v14 =	vor.u32 v14, v13;
	_ =	sdelay $0x1  }
0x64: {  	v18 =	vshll.u32 v2, $0x10  }
0x65: {  	v2 =	vand.u32 $0xFFFF0000, v2;
	[tilespmem:v5+s18+$0x0] =	vst.idx.msk $0xffff, v18  }
0x66: {  	[tilespmem:v16+s18+$0x0] =	vst.idx.msk $0xffff, v2  }
0x67: {  	s24 =	simm.s32 $0x4;
	v2 =	vor.u32 $0x6, v6;
	v16 =	vld.idx.msk [tilespmem:v14+s10+$0x0], $0xffff  }
0x68: {  	v19 =	vor.u32 s24, v1;
	v5 =	vor.u32 $0x7, v6;
	v18 =	vor.u32 v2, v15  }
0x69: {  	v19 =	vand.u32 $0x78, v19;
	v14 =	vor.u32 $0x4, v17;
	v15 =	vor.u32 v5, v15  }
0x6a: {  	v19 =	vor.u32 v19, v14;
	_ =	sdelay $0x1  }
0x6b: {  	v20 =	vshll.u32 v16, $0x10  }
0x6c: {  	v16 =	vand.u32 $0xFFFF0000, v16;
	[tilespmem:v18+s18+$0x0] =	vst.idx.msk $0xffff, v20  }
0x6d: {  	[tilespmem:v15+s18+$0x0] =	vst.idx.msk $0xffff, v16  }
0x6e: {  	s25 =	simm.s32 $0x8;
	s26 =	simm.s32 $0x5;
	v16 =	vld.idx.msk [tilespmem:v19+s10+$0x0], $0xffff  }
0x6f: {  	v18 =	vor.u32 s25, v6;
	v19 =	vor.u32 s26, v1  }
0x70: {  	v20 =	vor.u32 s25, v7;
	v15 =	vor.u32 $0x5, v17;
	v19 =	vand.u32 $0x78, v19  }
0x71: {  	v19 =	vor.u32 v19, v15  }
0x72: {  	s28 =	simm.s32 $0xA  }
0x73: {  	v22 =	vmov s28;
	v21 =	vshll.u32 v16, $0x10  }
0x74: {  	v16 =	vand.u32 $0xFFFF0000, v16;
	[tilespmem:v18+s18+$0x0] =	vst.idx.msk $0xffff, v21;
	v18 =	vand.u32 $0x38, v22  }
0x75: {  	[tilespmem:v20+s18+$0x0] =	vst.idx.msk $0xffff, v16;
	v18 =	vbroadcast v18, $0x0  }
0x76: {  	s29 =	simm.s32 $0x6;
	v19 =	vld.idx.msk [tilespmem:v19+s10+$0x0], $0xffff  }
0x77: {  	v21 =	vor.u32 s29, v1;
	v20 =	vor.u32 v8, v18  }
0x78: {  	v16 =	vor.u32 $0x6, v17;
	v21 =	vand.u32 $0x78, v21;
	v18 =	vor.u32 v9, v18  }
0x79: {  	v21 =	vor.u32 v21, v16  }
0x7a: {  	s30 =	simm.s32 $0xC  }
0x7b: {  	v23 =	vmov s30;
	v22 =	vshll.u32 v19, $0x10  }
0x7c: {  	v19 =	vand.u32 $0xFFFF0000, v19;
	[tilespmem:v20+s18+$0x0] =	vst.idx.msk $0xffff, v22;
	v20 =	vand.u32 $0x38, v23  }
0x7d: {  	[tilespmem:v18+s18+$0x0] =	vst.idx.msk $0xffff, v19;
	v18 =	vbroadcast v20, $0x0  }
0x7e: {  	s31 =	simm.s32 $0x7;
	v19 =	vld.idx.msk [tilespmem:v21+s10+$0x0], $0xffff  }
0x7f: {  	v21 =	vor.u32 s31, v1;
	v20 =	vor.u32 v3, v18  }
0x80: {  	v17 =	vor.u32 $0x7, v17;
	v18 =	vor.u32 v4, v18;
	v21 =	vand.u32 $0x78, v21  }
0x81: {  	v21 =	vor.u32 v21, v17  }
0x82: {  	s22 =	simm.s32 $0xE  }
0x83: {  	v23 =	vmov s22;
	v22 =	vshll.u32 v19, $0x10  }
0x84: {  	v19 =	vand.u32 $0xFFFF0000, v19;
	[tilespmem:v20+s18+$0x0] =	vst.idx.msk $0xffff, v22;
	v20 =	vand.u32 $0x38, v23  }
0x85: {  	[tilespmem:v18+s18+$0x0] =	vst.idx.msk $0xffff, v19;
	v18 =	vbroadcast v20, $0x0  }
0x86: {  	v20 =	vld.idx.msk [tilespmem:v21+s10+$0x0], $0xffff  }
0x87: {  	v21 =	vor.u32 v2, v18;
	_ =	sdelay $0x1  }
0x88: {  	s21 =	simm.s32 $0x8;
	v19 =	vor.u32 v5, v18  }
0x89: {  	v18 =	vor.u32 s21, v11  }
0x8a: {  	v22 =	vshll.u32 v20, $0x10  }
0x8b: {  	s23 =	simm.s32 $0x10;
	v20 =	vand.u32 $0xFFFF0000, v20;
	[tilespmem:v21+s18+$0x0] =	vst.idx.msk $0xffff, v22  }
.LBB2_3:
0x8c: {  	p0 =	slt.u32 s23, $0x18  }
0x8d: {  	[tilespmem:v19+s18+$0x0] =	vst.idx.msk $0xffff, v20;
	s22 =	sadd.s32 $0x10, s22;
	s24 =	smov.u32 s23;
	s23 =	sadd.s32 $0x8, s23  }
0x8e: {  	v18 =	vld.idx.msk [tilespmem:v18+s10+$0x0], $0xffff  }
0x8f: {  	s25 =	sadd.s32 $0xFFFFFFF2, s22  }
0x90: {  	v21 =	vor.u32 s21, v1;
	v19 =	vmov s25;
	v20 =	vor.u32 s25, v6  }
0x91: {  	v21 =	vand.u32 $0x78, v21;
	v22 =	vor.u32 s25, v7;
	v19 =	vand.u32 $0x30, v19  }
0x92: {  	v23 =	vor.u32 v21, v10;
	_ =	sdelay $0x1  }
0x93: {  	v24 =	vshll.u32 v18, $0x10  }
0x94: {  	v18 =	vand.u32 $0xFFFF0000, v18;
	[tilespmem:v20+s18+$0x0] =	vst.idx.msk $0xffff, v24  }
0x95: {  	[tilespmem:v22+s18+$0x0] =	vst.idx.msk $0xffff, v18  }
0x96: {  	v19 =	vbroadcast v19, $0x0;
	v18 =	vld.idx.msk [tilespmem:v23+s10+$0x0], $0xffff;
	_ =	sdelay $0x1  }
0x97: {  	v20 =	vor.u32 v8, v19  }
0x98: {  	v22 =	vor.u32 v9, v19  }
0x99: {  	v23 =	vor.u32 v21, v12;
	_ =	sdelay $0x1  }
0x9a: {  	v24 =	vshll.u32 v18, $0x10  }
0x9b: {  	v18 =	vand.u32 $0xFFFF0000, v18;
	[tilespmem:v20+s18+$0x0] =	vst.idx.msk $0xffff, v24  }
0x9c: {  	[tilespmem:v22+s18+$0x0] =	vst.idx.msk $0xffff, v18  }
0x9d: {  	v18 =	vld.idx.msk [tilespmem:v23+s10+$0x0], $0xffff;
	_ =	sdelay $0x1  }
0x9e: {  	v20 =	vor.u32 v3, v19  }
0x9f: {  	v22 =	vor.u32 v4, v19  }
0xa0: {  	v21 =	vor.u32 v21, v13;
	_ =	sdelay $0x1  }
0xa1: {  	v23 =	vshll.u32 v18, $0x10  }
0xa2: {  	v18 =	vand.u32 $0xFFFF0000, v18;
	[tilespmem:v20+s18+$0x0] =	vst.idx.msk $0xffff, v23  }
0xa3: {  	[tilespmem:v22+s18+$0x0] =	vst.idx.msk $0xffff, v18  }
0xa4: {  	v18 =	vld.idx.msk [tilespmem:v21+s10+$0x0], $0xffff  }
0xa5: {  	s25 =	sadd.s32 $0x4, s21  }
0xa6: {  	v20 =	vor.u32 v2, v19;
	v21 =	vor.u32 s25, v1  }
0xa7: {  	v19 =	vor.u32 v5, v19;
	v21 =	vand.u32 $0x78, v21  }
0xa8: {  	v21 =	vor.u32 v21, v14;
	_ =	sdelay $0x1  }
0xa9: {  	v22 =	vshll.u32 v18, $0x10  }
0xaa: {  	v18 =	vand.u32 $0xFFFF0000, v18;
	[tilespmem:v20+s18+$0x0] =	vst.idx.msk $0xffff, v22  }
0xab: {  	[tilespmem:v19+s18+$0x0] =	vst.idx.msk $0xffff, v18  }
0xac: {  	v18 =	vld.idx.msk [tilespmem:v21+s10+$0x0], $0xffff  }
0xad: {  	s26 =	sadd.s32 $0x5, s21;
	s25 =	sadd.s32 $0xFFFFFFFA, s22  }
0xae: {  	v20 =	vor.u32 s26, v1;
	v19 =	vor.u32 s25, v6  }
0xaf: {  	v20 =	vand.u32 $0x78, v20;
	v21 =	vor.u32 s25, v7  }
0xb0: {  	v20 =	vor.u32 v20, v15;
	_ =	sdelay $0x1  }
0xb1: {  	s25 =	sadd.s32 $0xFFFFFFFC, s22;
	v22 =	vshll.u32 v18, $0x10  }
0xb2: {  	v18 =	vand.u32 $0xFFFF0000, v18;
	[tilespmem:v19+s18+$0x0] =	vst.idx.msk $0xffff, v22;
	v19 =	vmov s25  }
0xb3: {  	[tilespmem:v21+s18+$0x0] =	vst.idx.msk $0xffff, v18;
	v18 =	vand.u32 $0x38, v19  }
0xb4: {  	v19 =	vld.idx.msk [tilespmem:v20+s10+$0x0], $0xffff;
	v18 =	vbroadcast v18, $0x0  }
0xb5: {  	s25 =	sadd.s32 $0x6, s21  }
0xb6: {  	v21 =	vor.u32 s25, v1;
	v20 =	vor.u32 v8, v18  }
0xb7: {  	v21 =	vand.u32 $0x78, v21;
	v18 =	vor.u32 v9, v18  }
0xb8: {  	v21 =	vor.u32 v21, v16;
	_ =	sdelay $0x1  }
0xb9: {  	s25 =	sadd.s32 $0xFFFFFFFE, s22;
	v22 =	vshll.u32 v19, $0x10  }
0xba: {  	v19 =	vand.u32 $0xFFFF0000, v19;
	[tilespmem:v20+s18+$0x0] =	vst.idx.msk $0xffff, v22;
	v20 =	vmov s25  }
0xbb: {  	[tilespmem:v18+s18+$0x0] =	vst.idx.msk $0xffff, v19;
	v18 =	vand.u32 $0x38, v20  }
0xbc: {  	v19 =	vld.idx.msk [tilespmem:v21+s10+$0x0], $0xffff;
	v18 =	vbroadcast v18, $0x0  }
0xbd: {  	s25 =	sadd.s32 $0x7, s21;
	s21 =	smov.u32 s24  }
0xbe: {  	v21 =	vor.u32 s25, v1;
	v20 =	vor.u32 v3, v18  }
0xbf: {  	v21 =	vand.u32 $0x78, v21;
	v18 =	vor.u32 v4, v18  }
0xc0: {  	v21 =	vor.u32 v21, v17;
	_ =	sdelay $0x1  }
0xc1: {  	v22 =	vshll.u32 v19, $0x10  }
0xc2: {  	v19 =	vand.u32 $0xFFFF0000, v19;
	[tilespmem:v20+s18+$0x0] =	vst.idx.msk $0xffff, v22;
	v20 =	vmov s22  }
0xc3: {  	[tilespmem:v18+s18+$0x0] =	vst.idx.msk $0xffff, v19;
	v18 =	vand.u32 $0x38, v20  }
0xc4: {  	v20 =	vld.idx.msk [tilespmem:v21+s10+$0x0], $0xffff;
	v18 =	vbroadcast v18, $0x0;
	_ =	sdelay $0x1  }
0xc5: {  	v21 =	vor.u32 v2, v18  }
.Ltmp0:
0xc6: {  	v19 =	vor.u32 v5, v18;
	(pc) =	sbr.rel @p0 .LBB2_3-.Ltmp0, $3  }
0xc7: {  	v18 =	vor.u32 s21, v11;
	_ =	sdelay $0x1  }
0xc8: {  	v22 =	vshll.u32 v20, $0x10  }
0xc9: {  	v20 =	vand.u32 $0xFFFF0000, v20;
	[tilespmem:v21+s18+$0x0] =	vst.idx.msk $0xffff, v22  }
0xca: {  	_ =	sdelay $0x3  }
0xcb: {  	[tilespmem:v19+s18+$0x0] =	vst.idx.msk $0xffff, v20;
	s22 =	sadd.s32 $0x10, s22  }
0xcc: {  	v11 =	vld.idx.msk [tilespmem:v18+s10+$0x0], $0xffff;
	s23 =	sadd.s32 $0xFFFFFFF2, s22  }
0xcd: {  	v35 =	vor.u32 s21, v1;
	v34 =	vor.u32 s23, v6  }
0xce: {  	v19 =	vand.u32 $0x78, v35;
	v36 =	vor.u32 s23, v7  }
0xcf: {  	v10 =	vor.u32 v19, v10;
	_ =	sdelay $0x1  }
0xd0: {  	v21 =	vmov s23;
	v22 =	vshll.u32 v11, $0x10  }
0xd1: {  	v21 =	vand.u32 $0x30, v21;
	v11 =	vand.u32 $0xFFFF0000, v11;
	[tilespmem:v34+s18+$0x0] =	vst.idx.msk $0xffff, v22  }
0xd2: {  	v37 =	vbroadcast v21, $0x0;
	[tilespmem:v36+s18+$0x0] =	vst.idx.msk $0xffff, v11  }
0xd3: {  	v10 =	vld.idx.msk [tilespmem:v10+s10+$0x0], $0xffff  }
0xd4: {  	v38 =	vor.u32 v8, v37  }
0xd5: {  	v39 =	vor.u32 v9, v37  }
0xd6: {  	v12 =	vor.u32 v19, v12;
	_ =	sdelay $0x1  }
0xd7: {  	v40 =	vshll.u32 v10, $0x10  }
0xd8: {  	v10 =	vand.u32 $0xFFFF0000, v10;
	[tilespmem:v38+s18+$0x0] =	vst.idx.msk $0xffff, v40  }
0xd9: {  	[tilespmem:v39+s18+$0x0] =	vst.idx.msk $0xffff, v10  }
0xda: {  	v10 =	vld.idx.msk [tilespmem:v12+s10+$0x0], $0xffff  }
0xdb: {  	v41 =	vor.u32 v3, v37  }
0xdc: {  	v42 =	vor.u32 v4, v37  }
0xdd: {  	v13 =	vor.u32 v19, v13;
	_ =	sdelay $0x1  }
0xde: {  	v43 =	vshll.u32 v10, $0x10  }
0xdf: {  	v10 =	vand.u32 $0xFFFF0000, v10;
	[tilespmem:v41+s18+$0x0] =	vst.idx.msk $0xffff, v43  }
0xe0: {  	[tilespmem:v42+s18+$0x0] =	vst.idx.msk $0xffff, v10  }
0xe1: {  	s25 =	sadd.s32 $0x4, s21;
	v10 =	vld.idx.msk [tilespmem:v13+s10+$0x0], $0xffff  }
0xe2: {  	v45 =	vor.u32 s25, v1;
	v44 =	vor.u32 v2, v37  }
0xe3: {  	v11 =	vor.u32 v5, v37;
	v13 =	vand.u32 $0x78, v45  }
0xe4: {  	v13 =	vor.u32 v13, v14;
	_ =	sdelay $0x1  }
0xe5: {  	v46 =	vshll.u32 v10, $0x10  }
0xe6: {  	v10 =	vand.u32 $0xFFFF0000, v10;
	[tilespmem:v44+s18+$0x0] =	vst.idx.msk $0xffff, v46  }
0xe7: {  	[tilespmem:v11+s18+$0x0] =	vst.idx.msk $0xffff, v10  }
0xe8: {  	s24 =	sadd.s32 $0x5, s21;
	s26 =	sadd.s32 $0xFFFFFFFA, s22;
	v10 =	vld.idx.msk [tilespmem:v13+s10+$0x0], $0xffff  }
0xe9: {  	v48 =	vor.u32 s24, v1;
	v47 =	vor.u32 s26, v6  }
0xea: {  	v49 =	vor.u32 s26, v7;
	v11 =	vand.u32 $0x78, v48  }
0xeb: {  	v11 =	vor.u32 v11, v15  }
0xec: {  	s28 =	sadd.s32 $0xFFFFFFFC, s22  }
0xed: {  	v51 =	vmov s28;
	v50 =	vshll.u32 v10, $0x10  }
0xee: {  	v52 =	vand.u32 $0x38, v51;
	v10 =	vand.u32 $0xFFFF0000, v10;
	[tilespmem:v47+s18+$0x0] =	vst.idx.msk $0xffff, v50  }
0xef: {  	v6 =	vbroadcast v52, $0x0;
	[tilespmem:v49+s18+$0x0] =	vst.idx.msk $0xffff, v10  }
0xf0: {  	s29 =	sadd.s32 $0x6, s21;
	v7 =	vld.idx.msk [tilespmem:v11+s10+$0x0], $0xffff  }
0xf1: {  	v54 =	vor.u32 s29, v1;
	v53 =	vor.u32 v8, v6  }
0xf2: {  	v55 =	vand.u32 $0x78, v54;
	v6 =	vor.u32 v9, v6  }
0xf3: {  	v9 =	vor.u32 v55, v16  }
0xf4: {  	s30 =	sadd.s32 $0xFFFFFFFE, s22  }
0xf5: {  	v57 =	vmov s30;
	v56 =	vshll.u32 v7, $0x10  }
0xf6: {  	v58 =	vand.u32 $0x38, v57;
	v7 =	vand.u32 $0xFFFF0000, v7;
	[tilespmem:v53+s18+$0x0] =	vst.idx.msk $0xffff, v56  }
0xf7: {  	v59 =	vbroadcast v58, $0x0;
	[tilespmem:v6+s18+$0x0] =	vst.idx.msk $0xffff, v7  }
0xf8: {  	s31 =	sadd.s32 $0x7, s21;
	v7 =	vld.idx.msk [tilespmem:v9+s10+$0x0], $0xffff  }
0xf9: {  	v1 =	vor.u32 s31, v1;
	v3 =	vor.u32 v3, v59  }
0xfa: {  	v1 =	vand.u32 $0x78, v1;
	v60 =	vor.u32 v4, v59  }
0xfb: {  	v1 =	vor.u32 v1, v17;
	_ =	sdelay $0x1  }
0xfc: {  	v62 =	vmov s22;
	v61 =	vshll.u32 v7, $0x10  }
0xfd: {  	v7 =	vand.u32 $0xFFFF0000, v7;
	[tilespmem:v3+s18+$0x0] =	vst.idx.msk $0xffff, v61;
	v3 =	vand.u32 $0x38, v62  }
0xfe: {  	[tilespmem:v60+s18+$0x0] =	vst.idx.msk $0xffff, v7;
	v3 =	vbroadcast v3, $0x0  }
0xff: {  	v1 =	vld.idx.msk [tilespmem:v1+s10+$0x0], $0xffff  }
0x100: {  	s20 =	sadd.s32 $0x1, s20;
	v2 =	vor.u32 v2, v3  }
0x101: {  	p0 =	sne.s32 s20, $0x20;
	v3 =	vor.u32 v5, v3  }
.Ltmp1:
0x102: {  	_ = 	snop;
	(pc) =	sbr.rel @p0 .LBB2_2-.Ltmp1, $4  }
0x103: {  	_ = 	snop  }
0x104: {  	v63 =	vshll.u32 v1, $0x10  }
0x105: {  	v1 =	vand.u32 $0xFFFF0000, v1;
	[tilespmem:v2+s18+$0x0] =	vst.idx.msk $0xffff, v63  }
0x106: {  	[tilespmem:v3+s18+$0x0] =	vst.idx.msk $0xffff, v1  }
0x107: {  	s19 =	sadd.s32 $0x1, s19  }
0x108: {  	p0 =	sne.s32 s19, s6  }
.Ltmp2:
0x109: {  	_ = 	snop;
	(pc) =	sbr.rel @p0 .LBB2_1-.Ltmp2, $4  }
0x10a: {  	[hbm4b:s5+s2] =	stream.linear.scatter [tilespmem:s18], [sflag:$0x2], $0x8000, $0x38;
	[tilespmem:$0x18400] =	vst v63  }
0x10b: {  	_ =	swait.ge [sflag:s7], $0x8000  }
0x10c: {  	[sflag:s7] =	ssyncset.done $0x0  }
0x10d: {  	[sflag:s7] =	ssyncadd.s32 $0xFFFF8000  }
0x10e: {  	_ =	sfence.sel $0x180000  }
0x10f: {  	[bflag:$0x0] =	sbarrier.arrive $0xFFFF  }
0x110: {  	p0 =	sne.s32 s1, $0x0;
	_ =	strace $0x90000047  }
0x111: {  	s0 =	sadd.s32 @!p0 $0x100000, s0;
	[bflag:$0x2] =	sbarrier.arrive $0xFFFF  }
0x112: {  	[sflag:s0] =	ssyncadd.tile.s32 @!p0 $0x1;
	_ =	shalt  }
.Lfunc_end2:
_tile_overlayer_lowered:
.L_overlay_start_2:
0x113: {  	(tag) =	ssettag $0x2  }
0x114: {  	s0 =	rddreg [dreg:$0x0];
	s2 =	stileid.u32  }
0x115: {  	s1 =	rddreg [dreg:$0x1];
	p0 =	sne.s32 s2, $0x0  }
0x116: {  	s3 =	rddreg [dreg:$0x2];
	[bflag:$0x3] =	sbarrier.arrive $0xFFFF;
	s2 =	simm.s32 @!p0 $0x1C02  }
0x117: {  	[timem:s3], [sflag:s2] =	dma.local @!p0 [hbm:s0], s1  }
0x118: {  	s0 =	simm.s32 @!p0 $0x2  }
0x119: {  	_ =	swait.ge @!p0 [sflag:s0], s1  }
0x11a: {  	s1 =	ssub.s32 @!p0 $0x0, s1;
	[sflag:s0] =	ssyncset.done @!p0 $0x0  }
0x11b: {  	[sflag:s0] =	ssyncadd.s32 @!p0 s1  }
0x11c: {  	[bflag:$0x3] =	sbarrier.arrive $0xFFFF  }
0x11d: {  	_ =	shalt  }

</sc_bundles>
